<compile_context>
chip_gen: v7x
topology: tpu7x:2x2x1
jax: 0.10.2.dev20260603
libtpu: 0.0.44.dev20260713+nightly
codegen_flags: <defaults>
</compile_context>

<pallas_src>
import functools

import jax
import jax.numpy as jnp
from jax import lax
from jax.experimental import pallas as pl
from jax.experimental.pallas import tpu as pltpu
from jax.experimental.pallas import tpu_sc as plsc

_NN = 32
_R2 = 0.2 * 0.2


def _rne_bf16(x):
    u = lax.bitcast_convert_type(x, jnp.uint32)
    u = u + jnp.uint32(0x7FFF) + ((u >> jnp.uint32(16)) & jnp.uint32(1))
    u = u & jnp.uint32(0xFFFF0000)
    return lax.bitcast_convert_type(u, jnp.float32)


def _transpose_in(features):
    B, C, N = features.shape
    TN = 512

    def body(f_ref, o_ref):
        o_ref[0] = f_ref[0].T

    return pl.pallas_call(
        body,
        grid=(B, N // TN),
        in_specs=[pl.BlockSpec((1, C, TN), lambda b, t: (b, 0, t))],
        out_specs=pl.BlockSpec((1, TN, C), lambda b, t: (b, t, 0)),
        out_shape=jax.ShapeDtypeStruct((B, N, C), jnp.float32),
    )(features)


def _transpose_out(rows, B, K):
    R, C = rows.shape
    TK = 128
    nt = K // TK

    def body(r_ref, o_ref):
        x3 = r_ref[...].reshape(TK, _NN, C)
        for s in range(_NN):
            o_ref[0, :, s, :] = x3[:, s, :].T

    return pl.pallas_call(
        body,
        grid=(B, nt),
        in_specs=[pl.BlockSpec((TK * _NN, C), lambda b, t: (b * nt + t, 0))],
        out_specs=pl.BlockSpec((1, C, _NN, TK), lambda b, t: (b, 0, 0, t)),
        out_shape=jax.ShapeDtypeStruct((B, C, _NN, K), jnp.float32),
    )(rows)


def _sc_query_group(ptx, pty, ptz, ctx, cty, ctz, ftf, B, N, K, C):
    mesh = plsc.VectorSubcoreMesh(core_axis_name="c", subcore_axis_name="s")
    NW = 32
    wpb = NW // B
    KW = K // wpb
    ncg = N // 64
    IDXW = 64
    nfc = KW * _NN // IDXW

    @functools.partial(
        pl.kernel,
        mesh=mesh,
        compiler_params=pltpu.CompilerParams(needs_layout_passes=False,
                                             use_tc_tiling_on_sc=False),
        out_type=[
            jax.ShapeDtypeStruct((B, 3, K, _NN), jnp.float32),
            jax.ShapeDtypeStruct((B * K * _NN, C), jnp.float32),
        ],
        scratch_types=[
            pltpu.VMEM((N,), jnp.float32),
            pltpu.VMEM((N,), jnp.float32),
            pltpu.VMEM((N,), jnp.float32),
            pltpu.VMEM((KW,), jnp.float32),
            pltpu.VMEM((KW,), jnp.float32),
            pltpu.VMEM((KW,), jnp.float32),
            pltpu.VMEM((N,), jnp.float32),
            pltpu.VMEM((N,), jnp.float32),
            pltpu.VMEM((N,), jnp.float32),
            pltpu.VMEM((128,), jnp.int32),
            pltpu.VMEM((nfc, IDXW), jnp.int32),
            pltpu.VMEM((KW, _NN), jnp.float32),
            pltpu.VMEM((KW, _NN), jnp.float32),
            pltpu.VMEM((KW, _NN), jnp.float32),
            pltpu.VMEM((2, IDXW, C), jnp.float32),
            pltpu.SemaphoreType.DMA,
            pltpu.SemaphoreType.DMA,
        ],
    )
    def sc_kern(ptx_h, pty_h, ptz_h, ctx_h, cty_h, ctz_h, ftf_h,
                gxyz_h, grows_h,
                xv, yv, zv, cxv, cyv, czv, xbv, ybv, p2v,
                scanv, gidxv, gxv, gyv, gzv,
                fbv, sem_g, sem_w):
        cid = lax.axis_index("c")
        sid = lax.axis_index("s")
        wid = sid * 2 + cid
        b = wid // wpb
        k0 = (wid % wpb) * KW

        pltpu.sync_copy(ptx_h.at[pl.ds(b * N, N)], xv)
        pltpu.sync_copy(pty_h.at[pl.ds(b * N, N)], yv)
        pltpu.sync_copy(ptz_h.at[pl.ds(b * N, N)], zv)
        pltpu.sync_copy(ctx_h.at[pl.ds(b * K + k0, KW)], cxv)
        pltpu.sync_copy(cty_h.at[pl.ds(b * K + k0, KW)], cyv)
        pltpu.sync_copy(ctz_h.at[pl.ds(b * K + k0, KW)], czv)

        lane = lax.iota(jnp.int32, 16)
        zero16 = jnp.zeros((16,), jnp.int32)
        row0 = (b * K + k0) * _NN

        def prep(n, carry):
            sl = pl.ds(n * 16, 16)
            x = xv[sl]
            y = yv[sl]
            z = zv[sl]
            xbv[sl] = _rne_bf16(x)
            ybv[sl] = _rne_bf16(y)
            p2v[sl] = (x * x + y * y) + z * z
            return carry

        lax.fori_loop(0, N // 16, prep, 0)

        def scan_centroid(i, j4):
            k = i * 2 + j4
            kf = zero16 + k
            cx = plsc.load_gather(cxv, [kf])
            cy = plsc.load_gather(cyv, [kf])
            cz = plsc.load_gather(czv, [kf])
            cxb = _rne_bf16(cx)
            cyb = _rne_bf16(cy)
            czb = _rne_bf16(cz)
            c2 = (cx * cx + cy * cy) + cz * cz

            def cond(st):
                g, cnt = st
                return (cnt < _NN) & (g < ncg)

            def body(st):
                g, cnt = st
                base = g * 64
                ms, sums = [], []
                for j in range(4):
                    sl = pl.ds(base + j * 16, 16)
                    cp = cxb * xbv[sl] + (cyb * ybv[sl]
                                          + czb * _rne_bf16(zv[sl]))
                    d2 = (c2 + p2v[sl]) - 2.0 * cp
                    m = d2 <= _R2
                    ms.append(m)
                    sums.append(jnp.sum(m.astype(jnp.int32)))
                c = cnt
                for j in range(4):
                    plsc.store_compressed(scanv.at[pl.ds(c, 16)],
                                          lane + (base + j * 16), mask=ms[j])
                    c = c + sums[j]
                return (g + 1, c)

            _, cnt = lax.while_loop(cond, body,
                                    (jnp.int32(0), jnp.int32(0)))

            cntv = zero16 + cnt
            for h in range(2):
                pos = lane + 16 * h
                posc = jnp.where(pos < cntv, pos, 0)
                vals = plsc.load_gather(scanv, [posc])
                vals = jnp.where(cntv > 0, vals, jnp.int32(N - 1))
                gxv[k, pl.ds(16 * h, 16)] = plsc.load_gather(xv, [vals]) - cx
                gyv[k, pl.ds(16 * h, 16)] = plsc.load_gather(yv, [vals]) - cy
                gzv[k, pl.ds(16 * h, 16)] = plsc.load_gather(zv, [vals]) - cz
                gidxv[i, pl.ds(j4 * _NN + 16 * h, 16)] = vals + b * N

        def per_group(i, carry):
            for j4 in range(2):
                scan_centroid(i, j4)

            @pl.when(i >= 2)
            def _():
                pltpu.make_async_copy(fbv.at[0],
                                      grows_h.at[pl.ds(row0, IDXW)],
                                      sem_w).wait()

            pltpu.async_copy(ftf_h.at[gidxv.at[i]], fbv.at[i % 2], sem_g)

            @pl.when(i >= 1)
            def _():
                pltpu.make_async_copy(ftf_h.at[gidxv.at[0]], fbv.at[0],
                                      sem_g).wait()
                pltpu.async_copy(fbv.at[(i + 1) % 2],
                                 grows_h.at[pl.ds(row0 + (i - 1) * IDXW,
                                                  IDXW)],
                                 sem_w)
            return carry

        lax.fori_loop(0, nfc, per_group, 0)

        pltpu.make_async_copy(ftf_h.at[gidxv.at[0]], fbv.at[0], sem_g).wait()
        pltpu.async_copy(fbv.at[(nfc - 1) % 2],
                         grows_h.at[pl.ds(row0 + (nfc - 1) * IDXW, IDXW)],
                         sem_w)
        pltpu.make_async_copy(fbv.at[0], grows_h.at[pl.ds(row0, IDXW)],
                              sem_w).wait()
        pltpu.make_async_copy(fbv.at[0], grows_h.at[pl.ds(row0, IDXW)],
                              sem_w).wait()

        pltpu.sync_copy(gxv, gxyz_h.at[b, 0, pl.ds(k0, KW), :])
        pltpu.sync_copy(gyv, gxyz_h.at[b, 1, pl.ds(k0, KW), :])
        pltpu.sync_copy(gzv, gxyz_h.at[b, 2, pl.ds(k0, KW), :])

    return sc_kern(ptx, pty, ptz, ctx, cty, ctz, ftf)


def kernel(points, centroids, features):
    B, N, _ = points.shape
    K = centroids.shape[1]
    C = features.shape[1]
    ptx = points[:, :, 0].reshape(B * N)
    pty = points[:, :, 1].reshape(B * N)
    ptz = points[:, :, 2].reshape(B * N)
    ctx = centroids[:, :, 0].reshape(B * K)
    cty = centroids[:, :, 1].reshape(B * K)
    ctz = centroids[:, :, 2].reshape(B * K)
    ftf = _transpose_in(features).reshape(B * N, C)
    gxyz, grows = _sc_query_group(ptx, pty, ptz, ctx, cty, ctz, ftf,
                                  B, N, K, C)
    gfeat = jnp.transpose(_transpose_out(grows, B, K), (0, 1, 3, 2))
    return (gxyz, gfeat)

# --- scband reference (transcript-rebuilt; emitter-appended) ---
"""Pipeline reference for scband-query-and-group-27608049778803 (READ-ONLY COPY).

The authoritative reference and input builder live on the scoring server;
editing this copy changes nothing except your own understanding.
"""

import jax, jax.numpy as jnp
import numpy as np

NUM_NEIGHBORS = 32
RADIUS = 0.2
RELATIVE_XYZ = True
NORMALIZE_XYZ = False


def ball_query(centroids, points, num_neighbors, radius):
    # centroids: (B, K, 3), points: (B, N, 3) -> indices (B, K, num_neighbors) int32
    B, N, _ = points.shape
    c2 = jnp.sum(centroids * centroids, axis=-1)  # (B, K)
    p2 = jnp.sum(points * points, axis=-1)        # (B, N)
    cp = jnp.einsum('bkd,bnd->bkn', centroids, points)  # (B, K, N)
    d2 = c2[:, :, None] + p2[:, None, :] - 2.0 * cp      # (B, K, N)
    order = jnp.arange(N, dtype=jnp.int32)
    # Standard CUDA ball_query picks the first (lowest-index) points within radius.
    score = jnp.where(d2 <= radius * radius, order[None, None, :], jnp.int32(N))
    neg_vals, _ = jax.lax.top_k(-score, num_neighbors)
    idx = -neg_vals  # ascending order of point index; invalid slots hold N
    first = idx[..., :1]
    idx = jnp.where(idx == N, first, idx)  # pad with first valid index (CUDA semantics)
    idx = jnp.clip(idx, 0, N - 1)          # safety if a ball is empty
    return idx.astype(jnp.int32)


def group_points(features, indices):
    # features: (B, C, N), indices: (B, K, nn) -> (B, C, K, nn)
    B, C, N = features.shape
    K, nn = indices.shape[1], indices.shape[2]
    idx = indices.reshape(B, 1, K * nn)
    idx = jnp.broadcast_to(idx, (B, C, K * nn))
    out = jnp.take_along_axis(features, idx, axis=2)
    return out.reshape(B, C, K, nn)


def setup_inputs(seed: int = 0) -> dict:
    key = jax.random.key(seed)
    k1, k2, k3 = jax.random.split(key, 3)
    points = jax.random.uniform(k1, (4, 16384, 3), dtype=jnp.float32)
    centroids = jax.random.uniform(k2, (4, 1024, 3), dtype=jnp.float32)
    features = jax.random.normal(k3, (4, 64, 16384), dtype=jnp.float32)
    return {"points": points, "centroids": centroids, "features": features}


def reference(points, centroids, features):
    indices = ball_query(centroids, points, NUM_NEIGHBORS, RADIUS)
    grouped_xyz = group_points(jnp.transpose(points, (0, 2, 1)), indices)  # (B, 3, K, nn)
    if RELATIVE_XYZ:
        grouped_xyz = grouped_xyz - jnp.transpose(centroids, (0, 2, 1))[..., None]
    if NORMALIZE_XYZ:
        grouped_xyz = grouped_xyz / RADIUS
    grouped_features = group_points(features, indices)  # (B, C, K, nn)
    return (grouped_xyz, grouped_features)

if __name__ == "__main__":
    import jax
    _d = setup_inputs()
    print(jax.jit(kernel)(*tuple(_d.values())))

</pallas_src>

<mosaic_0001>
#map = affine_map<(d0, d1) -> (0)>
#map1 = affine_map<(d0, d1) -> (0, 0)>
#map2 = affine_map<(d0, d1) -> (0, 0, 0, 0)>
module attributes {stable_mosaic.version = 14 : i64} {
  func.func @sc_kern(%arg0: i32, %arg1: i32, %arg2: memref<65536xf32, #tpu.memory_space<hbm>>, %arg3: memref<65536xf32, #tpu.memory_space<hbm>>, %arg4: memref<65536xf32, #tpu.memory_space<hbm>>, %arg5: memref<4096xf32, #tpu.memory_space<hbm>>, %arg6: memref<4096xf32, #tpu.memory_space<hbm>>, %arg7: memref<4096xf32, #tpu.memory_space<hbm>>, %arg8: memref<65536x64xf32, #tpu.memory_space<hbm>>, %arg9: memref<4x3x1024x32xf32, #tpu.memory_space<hbm>>, %arg10: memref<131072x64xf32, #tpu.memory_space<hbm>>, %arg11: memref<16384xf32, #tpu.memory_space<vmem>>, %arg12: memref<16384xf32, #tpu.memory_space<vmem>>, %arg13: memref<16384xf32, #tpu.memory_space<vmem>>, %arg14: memref<128xf32, #tpu.memory_space<vmem>>, %arg15: memref<128xf32, #tpu.memory_space<vmem>>, %arg16: memref<128xf32, #tpu.memory_space<vmem>>, %arg17: memref<16384xf32, #tpu.memory_space<vmem>>, %arg18: memref<16384xf32, #tpu.memory_space<vmem>>, %arg19: memref<16384xf32, #tpu.memory_space<vmem>>, %arg20: memref<128xi32, #tpu.memory_space<vmem>>, %arg21: memref<64x64xi32, #tpu.memory_space<vmem>>, %arg22: memref<128x32xf32, #tpu.memory_space<vmem>>, %arg23: memref<128x32xf32, #tpu.memory_space<vmem>>, %arg24: memref<128x32xf32, #tpu.memory_space<vmem>>, %arg25: memref<2x64x64xf32, #tpu.memory_space<vmem>>, %arg26: memref<!tpu.dma_semaphore, #tpu.memory_space<semaphore_mem>>, %arg27: memref<!tpu.dma_semaphore, #tpu.memory_space<semaphore_mem>>) attributes {dimension_semantics = [#tpu.dimension_semantics<core_parallel>, #tpu.dimension_semantics<subcore_parallel>], iteration_bounds = array<i64: 2, 16>, scalar_prefetch = 0 : i64, scratch_operands = 17 : i64, tpu.core_type = #tpu.core_type<sc_vector_subcore>, window_params = [{transform_indices = #map}, {transform_indices = #map}, {transform_indices = #map}, {transform_indices = #map}, {transform_indices = #map}, {transform_indices = #map}, {transform_indices = #map1}, {transform_indices = #map2}, {transform_indices = #map1}]} {
    %mul3A = arith.constant 2 : i32
    %mul3A_0 = arith.muli %arg1, %mul3A : i32
    %add3A = arith.addi %mul3A_0, %arg0 : i32
    %jit3A = arith.constant 8 : i32
    %div3A = arith.divsi %add3A, %jit3A : i32
    %sign3A = arith.constant 0 : i32
    %sign3A_1 = arith.cmpi sgt, %add3A, %sign3A : i32
    %sign3A_2 = arith.extui %sign3A_1 : i1 to i32
    %sign3A_3 = arith.constant 0 : i32
    %sign3A_4 = arith.cmpi slt, %add3A, %sign3A_3 : i32
    %sign3A_5 = arith.extui %sign3A_4 : i1 to i32
    %sign3A_6 = arith.subi %sign3A_2, %sign3A_5 : i32
    %sign3A_7 = arith.constant 0 : i32
    %sign3A_8 = arith.cmpi sgt, %jit3A, %sign3A_7 : i32
    %sign3A_9 = arith.extui %sign3A_8 : i1 to i32
    %sign3A_10 = arith.constant 0 : i32
    %sign3A_11 = arith.cmpi slt, %jit3A, %sign3A_10 : i32
    %sign3A_12 = arith.extui %sign3A_11 : i1 to i32
    %sign3A_13 = arith.subi %sign3A_9, %sign3A_12 : i32
    %ne3A = arith.cmpi ne, %sign3A_6, %sign3A_13 : i32
    %rem3A = arith.remsi %add3A, %jit3A : i32
    %ne3A_14 = arith.constant 0 : i32
    %ne3A_15 = arith.cmpi ne, %rem3A, %ne3A_14 : i32
    %and3A = arith.andi %ne3A, %ne3A_15 : i1
    %sub3A = arith.constant 1 : i32
    %sub3A_16 = arith.subi %div3A, %sub3A : i32
    %select_n3A = arith.select %and3A, %sub3A_16, %div3A : i32
    %jit3A_17 = arith.constant 8 : i32
    %eq3A = arith.constant 0 : i32
    %eq3A_18 = arith.cmpi eq, %jit3A_17, %eq3A : i32
    %jit3A_19 = arith.constant 1 : i32
    %select_n3A_20 = arith.select %eq3A_18, %jit3A_19, %jit3A_17 : i32
    %rem3A_21 = arith.remsi %add3A, %select_n3A_20 : i32
    %ne3A_22 = arith.constant 0 : i32
    %ne3A_23 = arith.cmpi ne, %rem3A_21, %ne3A_22 : i32
    %lt3A = arith.constant 0 : i32
    %lt3A_24 = arith.cmpi slt, %rem3A_21, %lt3A : i32
    %lt3A_25 = arith.constant 0 : i32
    %lt3A_26 = arith.cmpi slt, %select_n3A_20, %lt3A_25 : i32
    %ne3A_27 = arith.xori %lt3A_24, %lt3A_26 : i1
    %and3A_28 = arith.andi %ne3A_27, %ne3A_23 : i1
    %add3A_29 = arith.addi %rem3A_21, %select_n3A_20 : i32
    %select_n3A_30 = arith.select %and3A_28, %add3A_29, %rem3A_21 : i32
    %mul3A_31 = arith.constant 128 : i32
    %mul3A_32 = arith.muli %select_n3A_30, %mul3A_31 : i32
    %mul3A_33 = arith.constant 16384 : i32
    %mul3A_34 = arith.muli %select_n3A, %mul3A_33 : i32
    "tpu.region"() ({
      %run_scoped3A_118 = tpu.sem_alloc : memref<!tpu.dma_semaphore, #tpu.memory_space<semaphore_mem>>
      %dma_start3A_119 = tpu.memref_slice %arg2[%mul3A_34] : memref<65536xf32, #tpu.memory_space<hbm>> -> memref<16384xf32, #tpu.memory_space<hbm>>
      %dma_start3A_120 = tpu.memref_slice %arg2[%mul3A_34] : memref<65536xf32, #tpu.memory_space<hbm>> -> memref<16384xf32, #tpu.memory_space<hbm>>
      tpu.enqueue_dma source(%dma_start3A_120 : memref<16384xf32, #tpu.memory_space<hbm>>) target(%arg11 : memref<16384xf32, #tpu.memory_space<vmem>>) target_semaphore(%run_scoped3A_118 : memref<!tpu.dma_semaphore, #tpu.memory_space<semaphore_mem>>)
      %dma_wait3A_121 = tpu.memref_slice %arg2[%mul3A_34] : memref<65536xf32, #tpu.memory_space<hbm>> -> memref<16384xf32, #tpu.memory_space<hbm>>
      %dma_wait3A_122 = tpu.memref_slice %arg2[%mul3A_34] : memref<65536xf32, #tpu.memory_space<hbm>> -> memref<16384xf32, #tpu.memory_space<hbm>>
      tpu.wait_dma2 semaphore(%run_scoped3A_118 : memref<!tpu.dma_semaphore, #tpu.memory_space<semaphore_mem>>) src(%dma_wait3A_122 : memref<16384xf32, #tpu.memory_space<hbm>>) dst(%arg11 : memref<16384xf32, #tpu.memory_space<vmem>>)
      tpu.yield
    }) : () -> ()
    %mul3A_35 = arith.constant 16384 : i32
    %mul3A_36 = arith.muli %select_n3A, %mul3A_35 : i32
    "tpu.region"() ({
      %run_scoped3A_118 = tpu.sem_alloc : memref<!tpu.dma_semaphore, #tpu.memory_space<semaphore_mem>>
      %dma_start3A_119 = tpu.memref_slice %arg3[%mul3A_36] : memref<65536xf32, #tpu.memory_space<hbm>> -> memref<16384xf32, #tpu.memory_space<hbm>>
      %dma_start3A_120 = tpu.memref_slice %arg3[%mul3A_36] : memref<65536xf32, #tpu.memory_space<hbm>> -> memref<16384xf32, #tpu.memory_space<hbm>>
      tpu.enqueue_dma source(%dma_start3A_120 : memref<16384xf32, #tpu.memory_space<hbm>>) target(%arg12 : memref<16384xf32, #tpu.memory_space<vmem>>) target_semaphore(%run_scoped3A_118 : memref<!tpu.dma_semaphore, #tpu.memory_space<semaphore_mem>>)
      %dma_wait3A_121 = tpu.memref_slice %arg3[%mul3A_36] : memref<65536xf32, #tpu.memory_space<hbm>> -> memref<16384xf32, #tpu.memory_space<hbm>>
      %dma_wait3A_122 = tpu.memref_slice %arg3[%mul3A_36] : memref<65536xf32, #tpu.memory_space<hbm>> -> memref<16384xf32, #tpu.memory_space<hbm>>
      tpu.wait_dma2 semaphore(%run_scoped3A_118 : memref<!tpu.dma_semaphore, #tpu.memory_space<semaphore_mem>>) src(%dma_wait3A_122 : memref<16384xf32, #tpu.memory_space<hbm>>) dst(%arg12 : memref<16384xf32, #tpu.memory_space<vmem>>)
      tpu.yield
    }) : () -> ()
    %mul3A_37 = arith.constant 16384 : i32
    %mul3A_38 = arith.muli %select_n3A, %mul3A_37 : i32
    "tpu.region"() ({
      %run_scoped3A_118 = tpu.sem_alloc : memref<!tpu.dma_semaphore, #tpu.memory_space<semaphore_mem>>
      %dma_start3A_119 = tpu.memref_slice %arg4[%mul3A_38] : memref<65536xf32, #tpu.memory_space<hbm>> -> memref<16384xf32, #tpu.memory_space<hbm>>
      %dma_start3A_120 = tpu.memref_slice %arg4[%mul3A_38] : memref<65536xf32, #tpu.memory_space<hbm>> -> memref<16384xf32, #tpu.memory_space<hbm>>
      tpu.enqueue_dma source(%dma_start3A_120 : memref<16384xf32, #tpu.memory_space<hbm>>) target(%arg13 : memref<16384xf32, #tpu.memory_space<vmem>>) target_semaphore(%run_scoped3A_118 : memref<!tpu.dma_semaphore, #tpu.memory_space<semaphore_mem>>)
      %dma_wait3A_121 = tpu.memref_slice %arg4[%mul3A_38] : memref<65536xf32, #tpu.memory_space<hbm>> -> memref<16384xf32, #tpu.memory_space<hbm>>
      %dma_wait3A_122 = tpu.memref_slice %arg4[%mul3A_38] : memref<65536xf32, #tpu.memory_space<hbm>> -> memref<16384xf32, #tpu.memory_space<hbm>>
      tpu.wait_dma2 semaphore(%run_scoped3A_118 : memref<!tpu.dma_semaphore, #tpu.memory_space<semaphore_mem>>) src(%dma_wait3A_122 : memref<16384xf32, #tpu.memory_space<hbm>>) dst(%arg13 : memref<16384xf32, #tpu.memory_space<vmem>>)
      tpu.yield
    }) : () -> ()
    %mul3A_39 = arith.constant 1024 : i32
    %mul3A_40 = arith.muli %select_n3A, %mul3A_39 : i32
    %add3A_41 = arith.addi %mul3A_40, %mul3A_32 : i32
    "tpu.region"() ({
      %run_scoped3A_118 = tpu.sem_alloc : memref<!tpu.dma_semaphore, #tpu.memory_space<semaphore_mem>>
      %dma_start3A_119 = tpu.memref_slice %arg5[%add3A_41] : memref<4096xf32, #tpu.memory_space<hbm>> -> memref<128xf32, #tpu.memory_space<hbm>>
      %dma_start3A_120 = tpu.memref_slice %arg5[%add3A_41] : memref<4096xf32, #tpu.memory_space<hbm>> -> memref<128xf32, #tpu.memory_space<hbm>>
      tpu.enqueue_dma source(%dma_start3A_120 : memref<128xf32, #tpu.memory_space<hbm>>) target(%arg14 : memref<128xf32, #tpu.memory_space<vmem>>) target_semaphore(%run_scoped3A_118 : memref<!tpu.dma_semaphore, #tpu.memory_space<semaphore_mem>>)
      %dma_wait3A_121 = tpu.memref_slice %arg5[%add3A_41] : memref<4096xf32, #tpu.memory_space<hbm>> -> memref<128xf32, #tpu.memory_space<hbm>>
      %dma_wait3A_122 = tpu.memref_slice %arg5[%add3A_41] : memref<4096xf32, #tpu.memory_space<hbm>> -> memref<128xf32, #tpu.memory_space<hbm>>
      tpu.wait_dma2 semaphore(%run_scoped3A_118 : memref<!tpu.dma_semaphore, #tpu.memory_space<semaphore_mem>>) src(%dma_wait3A_122 : memref<128xf32, #tpu.memory_space<hbm>>) dst(%arg14 : memref<128xf32, #tpu.memory_space<vmem>>)
      tpu.yield
    }) : () -> ()
    %mul3A_42 = arith.constant 1024 : i32
    %mul3A_43 = arith.muli %select_n3A, %mul3A_42 : i32
    %add3A_44 = arith.addi %mul3A_43, %mul3A_32 : i32
    "tpu.region"() ({
      %run_scoped3A_118 = tpu.sem_alloc : memref<!tpu.dma_semaphore, #tpu.memory_space<semaphore_mem>>
      %dma_start3A_119 = tpu.memref_slice %arg6[%add3A_44] : memref<4096xf32, #tpu.memory_space<hbm>> -> memref<128xf32, #tpu.memory_space<hbm>>
      %dma_start3A_120 = tpu.memref_slice %arg6[%add3A_44] : memref<4096xf32, #tpu.memory_space<hbm>> -> memref<128xf32, #tpu.memory_space<hbm>>
      tpu.enqueue_dma source(%dma_start3A_120 : memref<128xf32, #tpu.memory_space<hbm>>) target(%arg15 : memref<128xf32, #tpu.memory_space<vmem>>) target_semaphore(%run_scoped3A_118 : memref<!tpu.dma_semaphore, #tpu.memory_space<semaphore_mem>>)
      %dma_wait3A_121 = tpu.memref_slice %arg6[%add3A_44] : memref<4096xf32, #tpu.memory_space<hbm>> -> memref<128xf32, #tpu.memory_space<hbm>>
      %dma_wait3A_122 = tpu.memref_slice %arg6[%add3A_44] : memref<4096xf32, #tpu.memory_space<hbm>> -> memref<128xf32, #tpu.memory_space<hbm>>
      tpu.wait_dma2 semaphore(%run_scoped3A_118 : memref<!tpu.dma_semaphore, #tpu.memory_space<semaphore_mem>>) src(%dma_wait3A_122 : memref<128xf32, #tpu.memory_space<hbm>>) dst(%arg15 : memref<128xf32, #tpu.memory_space<vmem>>)
      tpu.yield
    }) : () -> ()
    %mul3A_45 = arith.constant 1024 : i32
    %mul3A_46 = arith.muli %select_n3A, %mul3A_45 : i32
    %add3A_47 = arith.addi %mul3A_46, %mul3A_32 : i32
    "tpu.region"() ({
      %run_scoped3A_118 = tpu.sem_alloc : memref<!tpu.dma_semaphore, #tpu.memory_space<semaphore_mem>>
      %dma_start3A_119 = tpu.memref_slice %arg7[%add3A_47] : memref<4096xf32, #tpu.memory_space<hbm>> -> memref<128xf32, #tpu.memory_space<hbm>>
      %dma_start3A_120 = tpu.memref_slice %arg7[%add3A_47] : memref<4096xf32, #tpu.memory_space<hbm>> -> memref<128xf32, #tpu.memory_space<hbm>>
      tpu.enqueue_dma source(%dma_start3A_120 : memref<128xf32, #tpu.memory_space<hbm>>) target(%arg16 : memref<128xf32, #tpu.memory_space<vmem>>) target_semaphore(%run_scoped3A_118 : memref<!tpu.dma_semaphore, #tpu.memory_space<semaphore_mem>>)
      %dma_wait3A_121 = tpu.memref_slice %arg7[%add3A_47] : memref<4096xf32, #tpu.memory_space<hbm>> -> memref<128xf32, #tpu.memory_space<hbm>>
      %dma_wait3A_122 = tpu.memref_slice %arg7[%add3A_47] : memref<4096xf32, #tpu.memory_space<hbm>> -> memref<128xf32, #tpu.memory_space<hbm>>
      tpu.wait_dma2 semaphore(%run_scoped3A_118 : memref<!tpu.dma_semaphore, #tpu.memory_space<semaphore_mem>>) src(%dma_wait3A_122 : memref<128xf32, #tpu.memory_space<hbm>>) dst(%arg16 : memref<128xf32, #tpu.memory_space<vmem>>)
      tpu.yield
    }) : () -> ()
    %iota3A = tpu.iota {dimensions = array<i32: 0>} : vector<16xi32>
    %broadcast_in_dim3A = arith.constant 0 : i32
    %broadcast_in_dim3A_48 = vector.broadcast %broadcast_in_dim3A : i32 to vector<16xi32>
    %mul3A_49 = arith.constant 1024 : i32
    %mul3A_50 = arith.muli %select_n3A, %mul3A_49 : i32
    %add3A_51 = arith.addi %mul3A_50, %mul3A_32 : i32
    %mul3A_52 = arith.constant 32 : i32
    %mul3A_53 = arith.muli %add3A_51, %mul3A_52 : i32
    %scan3A = arith.constant 0 : i32
    %scan3A_54 = arith.constant 0 : i32
    %scan3A_55 = arith.constant 1024 : i32
    %scan3A_56 = arith.addi %scan3A_54, %scan3A_55 : i32
    %scan3A_57 = arith.constant 1 : i32
    scf.for %scan3A_118 = %scan3A_54 to %scan3A_56 step %scan3A_57  : i32 {
      %mul3A_119 = arith.constant 16 : i32
      %mul3A_120 = arith.muli %scan3A_118, %mul3A_119 : i32
      %get3A = arith.index_cast %mul3A_120 : i32 to index
      %get3A_121 = tpu.vector_load %arg11[%get3A] {strides = array<i32>} : memref<16384xf32, #tpu.memory_space<vmem>>, vector<16xf32>,
      %get3A_122 = arith.index_cast %mul3A_120 : i32 to index
      %get3A_123 = tpu.vector_load %arg12[%get3A_122] {strides = array<i32>} : memref<16384xf32, #tpu.memory_space<vmem>>, vector<16xf32>,
      %get3A_124 = arith.index_cast %mul3A_120 : i32 to index
      %get3A_125 = tpu.vector_load %arg13[%get3A_124] {strides = array<i32>} : memref<16384xf32, #tpu.memory_space<vmem>>, vector<16xf32>,
      %bitcast_convert_type3A = tpu.bitcast %get3A_121 : vector<16xf32> -> vector<16xi32>
      %add3A_126 = arith.constant 32767 : i32
      %add3A_127 = vector.broadcast %add3A_126 : i32 to vector<16xi32>
      %add3A_128 = arith.addi %bitcast_convert_type3A, %add3A_127 : vector<16xi32>
      %shift_right_logical3A = arith.constant 16 : i32
      %shift_right_logical3A_129 = vector.broadcast %shift_right_logical3A : i32 to vector<16xi32>
      %shift_right_logical3A_130 = arith.shrui %bitcast_convert_type3A, %shift_right_logical3A_129 : vector<16xi32>
      %and3A_131 = arith.constant 1 : i32
      %and3A_132 = vector.broadcast %and3A_131 : i32 to vector<16xi32>
      %and3A_133 = arith.andi %shift_right_logical3A_130, %and3A_132 : vector<16xi32>
      %add3A_134 = arith.addi %add3A_128, %and3A_133 : vector<16xi32>
      %and3A_135 = arith.constant -65536 : i32
      %and3A_136 = vector.broadcast %and3A_135 : i32 to vector<16xi32>
      %and3A_137 = arith.andi %add3A_134, %and3A_136 : vector<16xi32>
      %bitcast_convert_type3A_138 = tpu.bitcast %and3A_137 : vector<16xi32> -> vector<16xf32>
      %swap3A = arith.index_cast %mul3A_120 : i32 to index
      %swap3A_139 = tpu.vector_load %arg17[%swap3A] {strides = array<i32>} : memref<16384xf32, #tpu.memory_space<vmem>>, vector<16xf32>,
      tpu.vector_store %arg17[%swap3A], %bitcast_convert_type3A_138 {strides = array<i32>} : memref<16384xf32, #tpu.memory_space<vmem>>, vector<16xf32>,
      %bitcast_convert_type3A_140 = tpu.bitcast %get3A_123 : vector<16xf32> -> vector<16xi32>
      %add3A_141 = arith.constant 32767 : i32
      %add3A_142 = vector.broadcast %add3A_141 : i32 to vector<16xi32>
      %add3A_143 = arith.addi %bitcast_convert_type3A_140, %add3A_142 : vector<16xi32>
      %shift_right_logical3A_144 = arith.constant 16 : i32
      %shift_right_logical3A_145 = vector.broadcast %shift_right_logical3A_144 : i32 to vector<16xi32>
      %shift_right_logical3A_146 = arith.shrui %bitcast_convert_type3A_140, %shift_right_logical3A_145 : vector<16xi32>
      %and3A_147 = arith.constant 1 : i32
      %and3A_148 = vector.broadcast %and3A_147 : i32 to vector<16xi32>
      %and3A_149 = arith.andi %shift_right_logical3A_146, %and3A_148 : vector<16xi32>
      %add3A_150 = arith.addi %add3A_143, %and3A_149 : vector<16xi32>
      %and3A_151 = arith.constant -65536 : i32
      %and3A_152 = vector.broadcast %and3A_151 : i32 to vector<16xi32>
      %and3A_153 = arith.andi %add3A_150, %and3A_152 : vector<16xi32>
      %bitcast_convert_type3A_154 = tpu.bitcast %and3A_153 : vector<16xi32> -> vector<16xf32>
      %swap3A_155 = arith.index_cast %mul3A_120 : i32 to index
      %swap3A_156 = tpu.vector_load %arg18[%swap3A_155] {strides = array<i32>} : memref<16384xf32, #tpu.memory_space<vmem>>, vector<16xf32>,
      tpu.vector_store %arg18[%swap3A_155], %bitcast_convert_type3A_154 {strides = array<i32>} : memref<16384xf32, #tpu.memory_space<vmem>>, vector<16xf32>,
      %mul3A_157 = arith.mulf %get3A_121, %get3A_121 : vector<16xf32>
      %mul3A_158 = arith.mulf %get3A_123, %get3A_123 : vector<16xf32>
      %add3A_159 = arith.addf %mul3A_157, %mul3A_158 : vector<16xf32>
      %mul3A_160 = arith.mulf %get3A_125, %get3A_125 : vector<16xf32>
      %add3A_161 = arith.addf %add3A_159, %mul3A_160 : vector<16xf32>
      %swap3A_162 = arith.index_cast %mul3A_120 : i32 to index
      %swap3A_163 = tpu.vector_load %arg19[%swap3A_162] {strides = array<i32>} : memref<16384xf32, #tpu.memory_space<vmem>>, vector<16xf32>,
      tpu.vector_store %arg19[%swap3A_162], %add3A_161 {strides = array<i32>} : memref<16384xf32, #tpu.memory_space<vmem>>, vector<16xf32>,
    }
    %scan3A_58 = arith.constant 1024 : i32
    %scan3A_59 = arith.constant 0 : i32
    %scan3A_60 = arith.constant 0 : i32
    %scan3A_61 = arith.constant 64 : i32
    %scan3A_62 = arith.addi %scan3A_60, %scan3A_61 : i32
    %scan3A_63 = arith.constant 1 : i32
    scf.for %scan3A_118 = %scan3A_60 to %scan3A_62 step %scan3A_63  : i32 {
      %mul3A_119 = arith.constant 2 : i32
      %mul3A_120 = arith.muli %scan3A_118, %mul3A_119 : i32
      %add3A_121 = arith.constant 0 : i32
      %add3A_122 = arith.addi %mul3A_120, %add3A_121 : i32
      %add3A_123 = vector.broadcast %add3A_122 : i32 to vector<16xi32>
      %add3A_124 = arith.addi %broadcast_in_dim3A_48, %add3A_123 : vector<16xi32>
      %gather3A = tpu.vector_load_idx %arg14[%add3A_124] : memref<128xf32, #tpu.memory_space<vmem>>[vector<16xi32>], vector<16xf32>,
      %gather3A_125 = tpu.vector_load_idx %arg15[%add3A_124] : memref<128xf32, #tpu.memory_space<vmem>>[vector<16xi32>], vector<16xf32>,
      %gather3A_126 = tpu.vector_load_idx %arg16[%add3A_124] : memref<128xf32, #tpu.memory_space<vmem>>[vector<16xi32>], vector<16xf32>,
      %bitcast_convert_type3A = tpu.bitcast %gather3A : vector<16xf32> -> vector<16xi32>
      %add3A_127 = arith.constant 32767 : i32
      %add3A_128 = vector.broadcast %add3A_127 : i32 to vector<16xi32>
      %add3A_129 = arith.addi %bitcast_convert_type3A, %add3A_128 : vector<16xi32>
      %shift_right_logical3A = arith.constant 16 : i32
      %shift_right_logical3A_130 = vector.broadcast %shift_right_logical3A : i32 to vector<16xi32>
      %shift_right_logical3A_131 = arith.shrui %bitcast_convert_type3A, %shift_right_logical3A_130 : vector<16xi32>
      %and3A_132 = arith.constant 1 : i32
      %and3A_133 = vector.broadcast %and3A_132 : i32 to vector<16xi32>
      %and3A_134 = arith.andi %shift_right_logical3A_131, %and3A_133 : vector<16xi32>
      %add3A_135 = arith.addi %add3A_129, %and3A_134 : vector<16xi32>
      %and3A_136 = arith.constant -65536 : i32
      %and3A_137 = vector.broadcast %and3A_136 : i32 to vector<16xi32>
      %and3A_138 = arith.andi %add3A_135, %and3A_137 : vector<16xi32>
      %bitcast_convert_type3A_139 = tpu.bitcast %and3A_138 : vector<16xi32> -> vector<16xf32>
      %bitcast_convert_type3A_140 = tpu.bitcast %gather3A_125 : vector<16xf32> -> vector<16xi32>
      %add3A_141 = arith.constant 32767 : i32
      %add3A_142 = vector.broadcast %add3A_141 : i32 to vector<16xi32>
      %add3A_143 = arith.addi %bitcast_convert_type3A_140, %add3A_142 : vector<16xi32>
      %shift_right_logical3A_144 = arith.constant 16 : i32
      %shift_right_logical3A_145 = vector.broadcast %shift_right_logical3A_144 : i32 to vector<16xi32>
      %shift_right_logical3A_146 = arith.shrui %bitcast_convert_type3A_140, %shift_right_logical3A_145 : vector<16xi32>
      %and3A_147 = arith.constant 1 : i32
      %and3A_148 = vector.broadcast %and3A_147 : i32 to vector<16xi32>
      %and3A_149 = arith.andi %shift_right_logical3A_146, %and3A_148 : vector<16xi32>
      %add3A_150 = arith.addi %add3A_143, %and3A_149 : vector<16xi32>
      %and3A_151 = arith.constant -65536 : i32
      %and3A_152 = vector.broadcast %and3A_151 : i32 to vector<16xi32>
      %and3A_153 = arith.andi %add3A_150, %and3A_152 : vector<16xi32>
      %bitcast_convert_type3A_154 = tpu.bitcast %and3A_153 : vector<16xi32> -> vector<16xf32>
      %bitcast_convert_type3A_155 = tpu.bitcast %gather3A_126 : vector<16xf32> -> vector<16xi32>
      %add3A_156 = arith.constant 32767 : i32
      %add3A_157 = vector.broadcast %add3A_156 : i32 to vector<16xi32>
      %add3A_158 = arith.addi %bitcast_convert_type3A_155, %add3A_157 : vector<16xi32>
      %shift_right_logical3A_159 = arith.constant 16 : i32
      %shift_right_logical3A_160 = vector.broadcast %shift_right_logical3A_159 : i32 to vector<16xi32>
      %shift_right_logical3A_161 = arith.shrui %bitcast_convert_type3A_155, %shift_right_logical3A_160 : vector<16xi32>
      %and3A_162 = arith.constant 1 : i32
      %and3A_163 = vector.broadcast %and3A_162 : i32 to vector<16xi32>
      %and3A_164 = arith.andi %shift_right_logical3A_161, %and3A_163 : vector<16xi32>
      %add3A_165 = arith.addi %add3A_158, %and3A_164 : vector<16xi32>
      %and3A_166 = arith.constant -65536 : i32
      %and3A_167 = vector.broadcast %and3A_166 : i32 to vector<16xi32>
      %and3A_168 = arith.andi %add3A_165, %and3A_167 : vector<16xi32>
      %bitcast_convert_type3A_169 = tpu.bitcast %and3A_168 : vector<16xi32> -> vector<16xf32>
      %mul3A_170 = arith.mulf %gather3A, %gather3A : vector<16xf32>
      %mul3A_171 = arith.mulf %gather3A_125, %gather3A_125 : vector<16xf32>
      %add3A_172 = arith.addf %mul3A_170, %mul3A_171 : vector<16xf32>
      %mul3A_173 = arith.mulf %gather3A_126, %gather3A_126 : vector<16xf32>
      %add3A_174 = arith.addf %add3A_172, %mul3A_173 : vector<16xf32>
      %while3A = arith.constant 0 : i32
      %while3A_175 = arith.constant 0 : i32
      %while3A_176:2 = scf.while (%while3A_418 = %while3A, %while3A_419 = %while3A_175) : (i32, i32) -> (i32, i32) {
        %lt3A_420 = arith.constant 32 : i32
        %lt3A_421 = arith.cmpi slt, %while3A_419, %lt3A_420 : i32
        %lt3A_422 = arith.constant 256 : i32
        %lt3A_423 = arith.cmpi slt, %while3A_418, %lt3A_422 : i32
        %and3A_424 = arith.andi %lt3A_421, %lt3A_423 : i1
        scf.condition(%and3A_424) %while3A_418, %while3A_419 : i32, i32
      } do {
      ^bb0(%while3A_418: i32, %while3A_419: i32):
        %mul3A_420 = arith.constant 64 : i32
        %mul3A_421 = arith.muli %while3A_418, %mul3A_420 : i32
        %add3A_422 = arith.constant 0 : i32
        %add3A_423 = arith.addi %mul3A_421, %add3A_422 : i32
        %get3A = arith.index_cast %add3A_423 : i32 to index
        %get3A_424 = tpu.vector_load %arg17[%get3A] {strides = array<i32>} : memref<16384xf32, #tpu.memory_space<vmem>>, vector<16xf32>,
        %mul3A_425 = arith.mulf %bitcast_convert_type3A_139, %get3A_424 : vector<16xf32>
        %get3A_426 = arith.index_cast %add3A_423 : i32 to index
        %get3A_427 = tpu.vector_load %arg18[%get3A_426] {strides = array<i32>} : memref<16384xf32, #tpu.memory_space<vmem>>, vector<16xf32>,
        %mul3A_428 = arith.mulf %bitcast_convert_type3A_154, %get3A_427 : vector<16xf32>
        %get3A_429 = arith.index_cast %add3A_423 : i32 to index
        %get3A_430 = tpu.vector_load %arg13[%get3A_429] {strides = array<i32>} : memref<16384xf32, #tpu.memory_space<vmem>>, vector<16xf32>,
        %bitcast_convert_type3A_431 = tpu.bitcast %get3A_430 : vector<16xf32> -> vector<16xi32>
        %add3A_432 = arith.constant 32767 : i32
        %add3A_433 = vector.broadcast %add3A_432 : i32 to vector<16xi32>
        %add3A_434 = arith.addi %bitcast_convert_type3A_431, %add3A_433 : vector<16xi32>
        %shift_right_logical3A_435 = arith.constant 16 : i32
        %shift_right_logical3A_436 = vector.broadcast %shift_right_logical3A_435 : i32 to vector<16xi32>
        %shift_right_logical3A_437 = arith.shrui %bitcast_convert_type3A_431, %shift_right_logical3A_436 : vector<16xi32>
        %and3A_438 = arith.constant 1 : i32
        %and3A_439 = vector.broadcast %and3A_438 : i32 to vector<16xi32>
        %and3A_440 = arith.andi %shift_right_logical3A_437, %and3A_439 : vector<16xi32>
        %add3A_441 = arith.addi %add3A_434, %and3A_440 : vector<16xi32>
        %and3A_442 = arith.constant -65536 : i32
        %and3A_443 = vector.broadcast %and3A_442 : i32 to vector<16xi32>
        %and3A_444 = arith.andi %add3A_441, %and3A_443 : vector<16xi32>
        %bitcast_convert_type3A_445 = tpu.bitcast %and3A_444 : vector<16xi32> -> vector<16xf32>
        %mul3A_446 = arith.mulf %bitcast_convert_type3A_169, %bitcast_convert_type3A_445 : vector<16xf32>
        %add3A_447 = arith.addf %mul3A_428, %mul3A_446 : vector<16xf32>
        %add3A_448 = arith.addf %mul3A_425, %add3A_447 : vector<16xf32>
        %get3A_449 = arith.index_cast %add3A_423 : i32 to index
        %get3A_450 = tpu.vector_load %arg19[%get3A_449] {strides = array<i32>} : memref<16384xf32, #tpu.memory_space<vmem>>, vector<16xf32>,
        %add3A_451 = arith.addf %add3A_174, %get3A_450 : vector<16xf32>
        %mul3A_452 = arith.constant 2.000000e+00 : f32
        %mul3A_453 = vector.broadcast %mul3A_452 : f32 to vector<16xf32>
        %mul3A_454 = arith.mulf %mul3A_453, %add3A_448 : vector<16xf32>
        %sub3A_455 = arith.subf %add3A_451, %mul3A_454 : vector<16xf32>
        %le3A = arith.constant 4.000000e-02 : f32
        %le3A_456 = vector.broadcast %le3A : f32 to vector<16xf32>
        %le3A_457 = arith.cmpf ole, %sub3A_455, %le3A_456 : vector<16xf32>
        %convert_element_type3A_458 = arith.extui %le3A_457 : vector<16xi1> to vector<16xi32>
        %reduce_sum3A = arith.constant true
        %reduce_sum3A_459 = vector.broadcast %reduce_sum3A : i1 to vector<16xi1>
        %reduce_sum3A_460 = tpu.scan <sum>, %convert_element_type3A_458 masked %reduce_sum3A_459 : vector<16xi32>, vector<16xi1> -> vector<16xi32>
        %reduce_sum3A_461 = vector.extract %reduce_sum3A_460[15] : i32 from vector<16xi32>
        %add3A_462 = arith.constant 16 : i32
        %add3A_463 = arith.addi %mul3A_421, %add3A_462 : i32
        %get3A_464 = arith.index_cast %add3A_463 : i32 to index
        %get3A_465 = tpu.vector_load %arg17[%get3A_464] {strides = array<i32>} : memref<16384xf32, #tpu.memory_space<vmem>>, vector<16xf32>,
        %mul3A_466 = arith.mulf %bitcast_convert_type3A_139, %get3A_465 : vector<16xf32>
        %get3A_467 = arith.index_cast %add3A_463 : i32 to index
        %get3A_468 = tpu.vector_load %arg18[%get3A_467] {strides = array<i32>} : memref<16384xf32, #tpu.memory_space<vmem>>, vector<16xf32>,
        %mul3A_469 = arith.mulf %bitcast_convert_type3A_154, %get3A_468 : vector<16xf32>
        %get3A_470 = arith.index_cast %add3A_463 : i32 to index
        %get3A_471 = tpu.vector_load %arg13[%get3A_470] {strides = array<i32>} : memref<16384xf32, #tpu.memory_space<vmem>>, vector<16xf32>,
        %bitcast_convert_type3A_472 = tpu.bitcast %get3A_471 : vector<16xf32> -> vector<16xi32>
        %add3A_473 = arith.constant 32767 : i32
        %add3A_474 = vector.broadcast %add3A_473 : i32 to vector<16xi32>
        %add3A_475 = arith.addi %bitcast_convert_type3A_472, %add3A_474 : vector<16xi32>
        %shift_right_logical3A_476 = arith.constant 16 : i32
        %shift_right_logical3A_477 = vector.broadcast %shift_right_logical3A_476 : i32 to vector<16xi32>
        %shift_right_logical3A_478 = arith.shrui %bitcast_convert_type3A_472, %shift_right_logical3A_477 : vector<16xi32>
        %and3A_479 = arith.constant 1 : i32
        %and3A_480 = vector.broadcast %and3A_479 : i32 to vector<16xi32>
        %and3A_481 = arith.andi %shift_right_logical3A_478, %and3A_480 : vector<16xi32>
        %add3A_482 = arith.addi %add3A_475, %and3A_481 : vector<16xi32>
        %and3A_483 = arith.constant -65536 : i32
        %and3A_484 = vector.broadcast %and3A_483 : i32 to vector<16xi32>
        %and3A_485 = arith.andi %add3A_482, %and3A_484 : vector<16xi32>
        %bitcast_convert_type3A_486 = tpu.bitcast %and3A_485 : vector<16xi32> -> vector<16xf32>
        %mul3A_487 = arith.mulf %bitcast_convert_type3A_169, %bitcast_convert_type3A_486 : vector<16xf32>
        %add3A_488 = arith.addf %mul3A_469, %mul3A_487 : vector<16xf32>
        %add3A_489 = arith.addf %mul3A_466, %add3A_488 : vector<16xf32>
        %get3A_490 = arith.index_cast %add3A_463 : i32 to index
        %get3A_491 = tpu.vector_load %arg19[%get3A_490] {strides = array<i32>} : memref<16384xf32, #tpu.memory_space<vmem>>, vector<16xf32>,
        %add3A_492 = arith.addf %add3A_174, %get3A_491 : vector<16xf32>
        %mul3A_493 = arith.constant 2.000000e+00 : f32
        %mul3A_494 = vector.broadcast %mul3A_493 : f32 to vector<16xf32>
        %mul3A_495 = arith.mulf %mul3A_494, %add3A_489 : vector<16xf32>
        %sub3A_496 = arith.subf %add3A_492, %mul3A_495 : vector<16xf32>
        %le3A_497 = arith.constant 4.000000e-02 : f32
        %le3A_498 = vector.broadcast %le3A_497 : f32 to vector<16xf32>
        %le3A_499 = arith.cmpf ole, %sub3A_496, %le3A_498 : vector<16xf32>
        %convert_element_type3A_500 = arith.extui %le3A_499 : vector<16xi1> to vector<16xi32>
        %reduce_sum3A_501 = arith.constant true
        %reduce_sum3A_502 = vector.broadcast %reduce_sum3A_501 : i1 to vector<16xi1>
        %reduce_sum3A_503 = tpu.scan <sum>, %convert_element_type3A_500 masked %reduce_sum3A_502 : vector<16xi32>, vector<16xi1> -> vector<16xi32>
        %reduce_sum3A_504 = vector.extract %reduce_sum3A_503[15] : i32 from vector<16xi32>
        %add3A_505 = arith.constant 32 : i32
        %add3A_506 = arith.addi %mul3A_421, %add3A_505 : i32
        %get3A_507 = arith.index_cast %add3A_506 : i32 to index
        %get3A_508 = tpu.vector_load %arg17[%get3A_507] {strides = array<i32>} : memref<16384xf32, #tpu.memory_space<vmem>>, vector<16xf32>,
        %mul3A_509 = arith.mulf %bitcast_convert_type3A_139, %get3A_508 : vector<16xf32>
        %get3A_510 = arith.index_cast %add3A_506 : i32 to index
        %get3A_511 = tpu.vector_load %arg18[%get3A_510] {strides = array<i32>} : memref<16384xf32, #tpu.memory_space<vmem>>, vector<16xf32>,
        %mul3A_512 = arith.mulf %bitcast_convert_type3A_154, %get3A_511 : vector<16xf32>
        %get3A_513 = arith.index_cast %add3A_506 : i32 to index
        %get3A_514 = tpu.vector_load %arg13[%get3A_513] {strides = array<i32>} : memref<16384xf32, #tpu.memory_space<vmem>>, vector<16xf32>,
        %bitcast_convert_type3A_515 = tpu.bitcast %get3A_514 : vector<16xf32> -> vector<16xi32>
        %add3A_516 = arith.constant 32767 : i32
        %add3A_517 = vector.broadcast %add3A_516 : i32 to vector<16xi32>
        %add3A_518 = arith.addi %bitcast_convert_type3A_515, %add3A_517 : vector<16xi32>
        %shift_right_logical3A_519 = arith.constant 16 : i32
        %shift_right_logical3A_520 = vector.broadcast %shift_right_logical3A_519 : i32 to vector<16xi32>
        %shift_right_logical3A_521 = arith.shrui %bitcast_convert_type3A_515, %shift_right_logical3A_520 : vector<16xi32>
        %and3A_522 = arith.constant 1 : i32
        %and3A_523 = vector.broadcast %and3A_522 : i32 to vector<16xi32>
        %and3A_524 = arith.andi %shift_right_logical3A_521, %and3A_523 : vector<16xi32>
        %add3A_525 = arith.addi %add3A_518, %and3A_524 : vector<16xi32>
        %and3A_526 = arith.constant -65536 : i32
        %and3A_527 = vector.broadcast %and3A_526 : i32 to vector<16xi32>
        %and3A_528 = arith.andi %add3A_525, %and3A_527 : vector<16xi32>
        %bitcast_convert_type3A_529 = tpu.bitcast %and3A_528 : vector<16xi32> -> vector<16xf32>
        %mul3A_530 = arith.mulf %bitcast_convert_type3A_169, %bitcast_convert_type3A_529 : vector<16xf32>
        %add3A_531 = arith.addf %mul3A_512, %mul3A_530 : vector<16xf32>
        %add3A_532 = arith.addf %mul3A_509, %add3A_531 : vector<16xf32>
        %get3A_533 = arith.index_cast %add3A_506 : i32 to index
        %get3A_534 = tpu.vector_load %arg19[%get3A_533] {strides = array<i32>} : memref<16384xf32, #tpu.memory_space<vmem>>, vector<16xf32>,
        %add3A_535 = arith.addf %add3A_174, %get3A_534 : vector<16xf32>
        %mul3A_536 = arith.constant 2.000000e+00 : f32
        %mul3A_537 = vector.broadcast %mul3A_536 : f32 to vector<16xf32>
        %mul3A_538 = arith.mulf %mul3A_537, %add3A_532 : vector<16xf32>
        %sub3A_539 = arith.subf %add3A_535, %mul3A_538 : vector<16xf32>
        %le3A_540 = arith.constant 4.000000e-02 : f32
        %le3A_541 = vector.broadcast %le3A_540 : f32 to vector<16xf32>
        %le3A_542 = arith.cmpf ole, %sub3A_539, %le3A_541 : vector<16xf32>
        %convert_element_type3A_543 = arith.extui %le3A_542 : vector<16xi1> to vector<16xi32>
        %reduce_sum3A_544 = arith.constant true
        %reduce_sum3A_545 = vector.broadcast %reduce_sum3A_544 : i1 to vector<16xi1>
        %reduce_sum3A_546 = tpu.scan <sum>, %convert_element_type3A_543 masked %reduce_sum3A_545 : vector<16xi32>, vector<16xi1> -> vector<16xi32>
        %reduce_sum3A_547 = vector.extract %reduce_sum3A_546[15] : i32 from vector<16xi32>
        %add3A_548 = arith.constant 48 : i32
        %add3A_549 = arith.addi %mul3A_421, %add3A_548 : i32
        %get3A_550 = arith.index_cast %add3A_549 : i32 to index
        %get3A_551 = tpu.vector_load %arg17[%get3A_550] {strides = array<i32>} : memref<16384xf32, #tpu.memory_space<vmem>>, vector<16xf32>,
        %mul3A_552 = arith.mulf %bitcast_convert_type3A_139, %get3A_551 : vector<16xf32>
        %get3A_553 = arith.index_cast %add3A_549 : i32 to index
        %get3A_554 = tpu.vector_load %arg18[%get3A_553] {strides = array<i32>} : memref<16384xf32, #tpu.memory_space<vmem>>, vector<16xf32>,
        %mul3A_555 = arith.mulf %bitcast_convert_type3A_154, %get3A_554 : vector<16xf32>
        %get3A_556 = arith.index_cast %add3A_549 : i32 to index
        %get3A_557 = tpu.vector_load %arg13[%get3A_556] {strides = array<i32>} : memref<16384xf32, #tpu.memory_space<vmem>>, vector<16xf32>,
        %bitcast_convert_type3A_558 = tpu.bitcast %get3A_557 : vector<16xf32> -> vector<16xi32>
        %add3A_559 = arith.constant 32767 : i32
        %add3A_560 = vector.broadcast %add3A_559 : i32 to vector<16xi32>
        %add3A_561 = arith.addi %bitcast_convert_type3A_558, %add3A_560 : vector<16xi32>
        %shift_right_logical3A_562 = arith.constant 16 : i32
        %shift_right_logical3A_563 = vector.broadcast %shift_right_logical3A_562 : i32 to vector<16xi32>
        %shift_right_logical3A_564 = arith.shrui %bitcast_convert_type3A_558, %shift_right_logical3A_563 : vector<16xi32>
        %and3A_565 = arith.constant 1 : i32
        %and3A_566 = vector.broadcast %and3A_565 : i32 to vector<16xi32>
        %and3A_567 = arith.andi %shift_right_logical3A_564, %and3A_566 : vector<16xi32>
        %add3A_568 = arith.addi %add3A_561, %and3A_567 : vector<16xi32>
        %and3A_569 = arith.constant -65536 : i32
        %and3A_570 = vector.broadcast %and3A_569 : i32 to vector<16xi32>
        %and3A_571 = arith.andi %add3A_568, %and3A_570 : vector<16xi32>
        %bitcast_convert_type3A_572 = tpu.bitcast %and3A_571 : vector<16xi32> -> vector<16xf32>
        %mul3A_573 = arith.mulf %bitcast_convert_type3A_169, %bitcast_convert_type3A_572 : vector<16xf32>
        %add3A_574 = arith.addf %mul3A_555, %mul3A_573 : vector<16xf32>
        %add3A_575 = arith.addf %mul3A_552, %add3A_574 : vector<16xf32>
        %get3A_576 = arith.index_cast %add3A_549 : i32 to index
        %get3A_577 = tpu.vector_load %arg19[%get3A_576] {strides = array<i32>} : memref<16384xf32, #tpu.memory_space<vmem>>, vector<16xf32>,
        %add3A_578 = arith.addf %add3A_174, %get3A_577 : vector<16xf32>
        %mul3A_579 = arith.constant 2.000000e+00 : f32
        %mul3A_580 = vector.broadcast %mul3A_579 : f32 to vector<16xf32>
        %mul3A_581 = arith.mulf %mul3A_580, %add3A_575 : vector<16xf32>
        %sub3A_582 = arith.subf %add3A_578, %mul3A_581 : vector<16xf32>
        %le3A_583 = arith.constant 4.000000e-02 : f32
        %le3A_584 = vector.broadcast %le3A_583 : f32 to vector<16xf32>
        %le3A_585 = arith.cmpf ole, %sub3A_582, %le3A_584 : vector<16xf32>
        %convert_element_type3A_586 = arith.extui %le3A_585 : vector<16xi1> to vector<16xi32>
        %reduce_sum3A_587 = arith.constant true
        %reduce_sum3A_588 = vector.broadcast %reduce_sum3A_587 : i1 to vector<16xi1>
        %reduce_sum3A_589 = tpu.scan <sum>, %convert_element_type3A_586 masked %reduce_sum3A_588 : vector<16xi32>, vector<16xi1> -> vector<16xi32>
        %reduce_sum3A_590 = vector.extract %reduce_sum3A_589[15] : i32 from vector<16xi32>
        %add3A_591 = arith.constant 0 : i32
        %add3A_592 = arith.addi %mul3A_421, %add3A_591 : i32
        %add3A_593 = vector.broadcast %add3A_592 : i32 to vector<16xi32>
        %add3A_594 = arith.addi %iota3A, %add3A_593 : vector<16xi32>
        %swap3A_595 = arith.index_cast %while3A_419 : i32 to index
        %swap3A_596 = tpu.vector_load %arg20[%swap3A_595] masked %le3A_457 {strides = array<i32>} : memref<128xi32, #tpu.memory_space<vmem>>, vector<16xi32>, vector<16xi1>
        tpu.vector_store %arg20[%swap3A_595], %add3A_594 masked %le3A_457 {strides = array<i32>} : memref<128xi32, #tpu.memory_space<vmem>>, vector<16xi32>, vector<16xi1>
        %add3A_597 = arith.addi %while3A_419, %reduce_sum3A_461 : i32
        %add3A_598 = arith.constant 16 : i32
        %add3A_599 = arith.addi %mul3A_421, %add3A_598 : i32
        %add3A_600 = vector.broadcast %add3A_599 : i32 to vector<16xi32>
        %add3A_601 = arith.addi %iota3A, %add3A_600 : vector<16xi32>
        %swap3A_602 = arith.index_cast %add3A_597 : i32 to index
        %swap3A_603 = tpu.vector_load %arg20[%swap3A_602] masked %le3A_499 {strides = array<i32>} : memref<128xi32, #tpu.memory_space<vmem>>, vector<16xi32>, vector<16xi1>
        tpu.vector_store %arg20[%swap3A_602], %add3A_601 masked %le3A_499 {strides = array<i32>} : memref<128xi32, #tpu.memory_space<vmem>>, vector<16xi32>, vector<16xi1>
        %add3A_604 = arith.addi %add3A_597, %reduce_sum3A_504 : i32
        %add3A_605 = arith.constant 32 : i32
        %add3A_606 = arith.addi %mul3A_421, %add3A_605 : i32
        %add3A_607 = vector.broadcast %add3A_606 : i32 to vector<16xi32>
        %add3A_608 = arith.addi %iota3A, %add3A_607 : vector<16xi32>
        %swap3A_609 = arith.index_cast %add3A_604 : i32 to index
        %swap3A_610 = tpu.vector_load %arg20[%swap3A_609] masked %le3A_542 {strides = array<i32>} : memref<128xi32, #tpu.memory_space<vmem>>, vector<16xi32>, vector<16xi1>
        tpu.vector_store %arg20[%swap3A_609], %add3A_608 masked %le3A_542 {strides = array<i32>} : memref<128xi32, #tpu.memory_space<vmem>>, vector<16xi32>, vector<16xi1>
        %add3A_611 = arith.addi %add3A_604, %reduce_sum3A_547 : i32
        %add3A_612 = arith.constant 48 : i32
        %add3A_613 = arith.addi %mul3A_421, %add3A_612 : i32
        %add3A_614 = vector.broadcast %add3A_613 : i32 to vector<16xi32>
        %add3A_615 = arith.addi %iota3A, %add3A_614 : vector<16xi32>
        %swap3A_616 = arith.index_cast %add3A_611 : i32 to index
        %swap3A_617 = tpu.vector_load %arg20[%swap3A_616] masked %le3A_585 {strides = array<i32>} : memref<128xi32, #tpu.memory_space<vmem>>, vector<16xi32>, vector<16xi1>
        tpu.vector_store %arg20[%swap3A_616], %add3A_615 masked %le3A_585 {strides = array<i32>} : memref<128xi32, #tpu.memory_space<vmem>>, vector<16xi32>, vector<16xi1>
        %add3A_618 = arith.addi %add3A_611, %reduce_sum3A_590 : i32
        %add3A_619 = arith.constant 1 : i32
        %add3A_620 = arith.addi %while3A_418, %add3A_619 : i32
        scf.yield %add3A_620, %add3A_618 : i32, i32
      }
      %add3A_177 = vector.broadcast %while3A_176#1 : i32 to vector<16xi32>
      %add3A_178 = arith.addi %broadcast_in_dim3A_48, %add3A_177 : vector<16xi32>
      %add3A_179 = arith.constant 0 : i32
      %add3A_180 = vector.broadcast %add3A_179 : i32 to vector<16xi32>
      %add3A_181 = arith.addi %iota3A, %add3A_180 : vector<16xi32>
      %lt3A_182 = arith.cmpi slt, %add3A_181, %add3A_178 : vector<16xi32>
      %jit3A_183 = arith.constant 0 : i32
      %broadcast_in_dim3A_184 = vector.broadcast %jit3A_183 : i32 to vector<16xi32>
      %select_n3A_185 = arith.select %lt3A_182, %add3A_181, %broadcast_in_dim3A_184 : vector<16xi1>, vector<16xi32>
      %gather3A_186 = tpu.vector_load_idx %arg20[%select_n3A_185] : memref<128xi32, #tpu.memory_space<vmem>>[vector<16xi32>], vector<16xi32>,
      %gt3A = arith.constant 0 : i32
      %gt3A_187 = vector.broadcast %gt3A : i32 to vector<16xi32>
      %gt3A_188 = arith.cmpi sgt, %add3A_178, %gt3A_187 : vector<16xi32>
      %jit3A_189 = arith.constant 16383 : i32
      %broadcast_in_dim3A_190 = vector.broadcast %jit3A_189 : i32 to vector<16xi32>
      %select_n3A_191 = arith.select %gt3A_188, %gather3A_186, %broadcast_in_dim3A_190 : vector<16xi1>, vector<16xi32>
      %gather3A_192 = tpu.vector_load_idx %arg11[%select_n3A_191] : memref<16384xf32, #tpu.memory_space<vmem>>[vector<16xi32>], vector<16xf32>,
      %sub3A_193 = arith.subf %gather3A_192, %gather3A : vector<16xf32>
      %swap3A = arith.index_cast %add3A_122 : i32 to index
      %swap3A_194 = arith.constant 0 : index
      %swap3A_195 = tpu.vector_load %arg22[%swap3A, %swap3A_194] {strides = array<i32>} : memref<128x32xf32, #tpu.memory_space<vmem>>, vector<16xf32>,
      tpu.vector_store %arg22[%swap3A, %swap3A_194], %sub3A_193 {strides = array<i32>} : memref<128x32xf32, #tpu.memory_space<vmem>>, vector<16xf32>,
      %gather3A_196 = tpu.vector_load_idx %arg12[%select_n3A_191] : memref<16384xf32, #tpu.memory_space<vmem>>[vector<16xi32>], vector<16xf32>,
      %sub3A_197 = arith.subf %gather3A_196, %gather3A_125 : vector<16xf32>
      %swap3A_198 = arith.index_cast %add3A_122 : i32 to index
      %swap3A_199 = arith.constant 0 : index
      %swap3A_200 = tpu.vector_load %arg23[%swap3A_198, %swap3A_199] {strides = array<i32>} : memref<128x32xf32, #tpu.memory_space<vmem>>, vector<16xf32>,
      tpu.vector_store %arg23[%swap3A_198, %swap3A_199], %sub3A_197 {strides = array<i32>} : memref<128x32xf32, #tpu.memory_space<vmem>>, vector<16xf32>,
      %gather3A_201 = tpu.vector_load_idx %arg13[%select_n3A_191] : memref<16384xf32, #tpu.memory_space<vmem>>[vector<16xi32>], vector<16xf32>,
      %sub3A_202 = arith.subf %gather3A_201, %gather3A_126 : vector<16xf32>
      %swap3A_203 = arith.index_cast %add3A_122 : i32 to index
      %swap3A_204 = arith.constant 0 : index
      %swap3A_205 = tpu.vector_load %arg24[%swap3A_203, %swap3A_204] {strides = array<i32>} : memref<128x32xf32, #tpu.memory_space<vmem>>, vector<16xf32>,
      tpu.vector_store %arg24[%swap3A_203, %swap3A_204], %sub3A_202 {strides = array<i32>} : memref<128x32xf32, #tpu.memory_space<vmem>>, vector<16xf32>,
      %mul3A_206 = arith.constant 16384 : i32
      %mul3A_207 = arith.muli %select_n3A, %mul3A_206 : i32
      %add3A_208 = vector.broadcast %mul3A_207 : i32 to vector<16xi32>
      %add3A_209 = arith.addi %select_n3A_191, %add3A_208 : vector<16xi32>
      %swap3A_210 = arith.index_cast %scan3A_118 : i32 to index
      %swap3A_211 = arith.constant 0 : index
      %swap3A_212 = tpu.vector_load %arg21[%swap3A_210, %swap3A_211] {strides = array<i32>} : memref<64x64xi32, #tpu.memory_space<vmem>>, vector<16xi32>,
      tpu.vector_store %arg21[%swap3A_210, %swap3A_211], %add3A_209 {strides = array<i32>} : memref<64x64xi32, #tpu.memory_space<vmem>>, vector<16xi32>,
      %add3A_213 = arith.constant 16 : i32
      %add3A_214 = vector.broadcast %add3A_213 : i32 to vector<16xi32>
      %add3A_215 = arith.addi %iota3A, %add3A_214 : vector<16xi32>
      %lt3A_216 = arith.cmpi slt, %add3A_215, %add3A_178 : vector<16xi32>
      %jit3A_217 = arith.constant 0 : i32
      %broadcast_in_dim3A_218 = vector.broadcast %jit3A_217 : i32 to vector<16xi32>
      %select_n3A_219 = arith.select %lt3A_216, %add3A_215, %broadcast_in_dim3A_218 : vector<16xi1>, vector<16xi32>
      %gather3A_220 = tpu.vector_load_idx %arg20[%select_n3A_219] : memref<128xi32, #tpu.memory_space<vmem>>[vector<16xi32>], vector<16xi32>,
      %gt3A_221 = arith.constant 0 : i32
      %gt3A_222 = vector.broadcast %gt3A_221 : i32 to vector<16xi32>
      %gt3A_223 = arith.cmpi sgt, %add3A_178, %gt3A_222 : vector<16xi32>
      %jit3A_224 = arith.constant 16383 : i32
      %broadcast_in_dim3A_225 = vector.broadcast %jit3A_224 : i32 to vector<16xi32>
      %select_n3A_226 = arith.select %gt3A_223, %gather3A_220, %broadcast_in_dim3A_225 : vector<16xi1>, vector<16xi32>
      %gather3A_227 = tpu.vector_load_idx %arg11[%select_n3A_226] : memref<16384xf32, #tpu.memory_space<vmem>>[vector<16xi32>], vector<16xf32>,
      %sub3A_228 = arith.subf %gather3A_227, %gather3A : vector<16xf32>
      %swap3A_229 = arith.index_cast %add3A_122 : i32 to index
      %swap3A_230 = arith.constant 16 : index
      %swap3A_231 = tpu.vector_load %arg22[%swap3A_229, %swap3A_230] {strides = array<i32>} : memref<128x32xf32, #tpu.memory_space<vmem>>, vector<16xf32>,
      tpu.vector_store %arg22[%swap3A_229, %swap3A_230], %sub3A_228 {strides = array<i32>} : memref<128x32xf32, #tpu.memory_space<vmem>>, vector<16xf32>,
      %gather3A_232 = tpu.vector_load_idx %arg12[%select_n3A_226] : memref<16384xf32, #tpu.memory_space<vmem>>[vector<16xi32>], vector<16xf32>,
      %sub3A_233 = arith.subf %gather3A_232, %gather3A_125 : vector<16xf32>
      %swap3A_234 = arith.index_cast %add3A_122 : i32 to index
      %swap3A_235 = arith.constant 16 : index
      %swap3A_236 = tpu.vector_load %arg23[%swap3A_234, %swap3A_235] {strides = array<i32>} : memref<128x32xf32, #tpu.memory_space<vmem>>, vector<16xf32>,
      tpu.vector_store %arg23[%swap3A_234, %swap3A_235], %sub3A_233 {strides = array<i32>} : memref<128x32xf32, #tpu.memory_space<vmem>>, vector<16xf32>,
      %gather3A_237 = tpu.vector_load_idx %arg13[%select_n3A_226] : memref<16384xf32, #tpu.memory_space<vmem>>[vector<16xi32>], vector<16xf32>,
      %sub3A_238 = arith.subf %gather3A_237, %gather3A_126 : vector<16xf32>
      %swap3A_239 = arith.index_cast %add3A_122 : i32 to index
      %swap3A_240 = arith.constant 16 : index
      %swap3A_241 = tpu.vector_load %arg24[%swap3A_239, %swap3A_240] {strides = array<i32>} : memref<128x32xf32, #tpu.memory_space<vmem>>, vector<16xf32>,
      tpu.vector_store %arg24[%swap3A_239, %swap3A_240], %sub3A_238 {strides = array<i32>} : memref<128x32xf32, #tpu.memory_space<vmem>>, vector<16xf32>,
      %mul3A_242 = arith.constant 16384 : i32
      %mul3A_243 = arith.muli %select_n3A, %mul3A_242 : i32
      %add3A_244 = vector.broadcast %mul3A_243 : i32 to vector<16xi32>
      %add3A_245 = arith.addi %select_n3A_226, %add3A_244 : vector<16xi32>
      %swap3A_246 = arith.index_cast %scan3A_118 : i32 to index
      %swap3A_247 = arith.constant 16 : index
      %swap3A_248 = tpu.vector_load %arg21[%swap3A_246, %swap3A_247] {strides = array<i32>} : memref<64x64xi32, #tpu.memory_space<vmem>>, vector<16xi32>,
      tpu.vector_store %arg21[%swap3A_246, %swap3A_247], %add3A_245 {strides = array<i32>} : memref<64x64xi32, #tpu.memory_space<vmem>>, vector<16xi32>,
      %mul3A_249 = arith.constant 2 : i32
      %mul3A_250 = arith.muli %scan3A_118, %mul3A_249 : i32
      %add3A_251 = arith.constant 1 : i32
      %add3A_252 = arith.addi %mul3A_250, %add3A_251 : i32
      %add3A_253 = vector.broadcast %add3A_252 : i32 to vector<16xi32>
      %add3A_254 = arith.addi %broadcast_in_dim3A_48, %add3A_253 : vector<16xi32>
      %gather3A_255 = tpu.vector_load_idx %arg14[%add3A_254] : memref<128xf32, #tpu.memory_space<vmem>>[vector<16xi32>], vector<16xf32>,
      %gather3A_256 = tpu.vector_load_idx %arg15[%add3A_254] : memref<128xf32, #tpu.memory_space<vmem>>[vector<16xi32>], vector<16xf32>,
      %gather3A_257 = tpu.vector_load_idx %arg16[%add3A_254] : memref<128xf32, #tpu.memory_space<vmem>>[vector<16xi32>], vector<16xf32>,
      %bitcast_convert_type3A_258 = tpu.bitcast %gather3A_255 : vector<16xf32> -> vector<16xi32>
      %add3A_259 = arith.constant 32767 : i32
      %add3A_260 = vector.broadcast %add3A_259 : i32 to vector<16xi32>
      %add3A_261 = arith.addi %bitcast_convert_type3A_258, %add3A_260 : vector<16xi32>
      %shift_right_logical3A_262 = arith.constant 16 : i32
      %shift_right_logical3A_263 = vector.broadcast %shift_right_logical3A_262 : i32 to vector<16xi32>
      %shift_right_logical3A_264 = arith.shrui %bitcast_convert_type3A_258, %shift_right_logical3A_263 : vector<16xi32>
      %and3A_265 = arith.constant 1 : i32
      %and3A_266 = vector.broadcast %and3A_265 : i32 to vector<16xi32>
      %and3A_267 = arith.andi %shift_right_logical3A_264, %and3A_266 : vector<16xi32>
      %add3A_268 = arith.addi %add3A_261, %and3A_267 : vector<16xi32>
      %and3A_269 = arith.constant -65536 : i32
      %and3A_270 = vector.broadcast %and3A_269 : i32 to vector<16xi32>
      %and3A_271 = arith.andi %add3A_268, %and3A_270 : vector<16xi32>
      %bitcast_convert_type3A_272 = tpu.bitcast %and3A_271 : vector<16xi32> -> vector<16xf32>
      %bitcast_convert_type3A_273 = tpu.bitcast %gather3A_256 : vector<16xf32> -> vector<16xi32>
      %add3A_274 = arith.constant 32767 : i32
      %add3A_275 = vector.broadcast %add3A_274 : i32 to vector<16xi32>
      %add3A_276 = arith.addi %bitcast_convert_type3A_273, %add3A_275 : vector<16xi32>
      %shift_right_logical3A_277 = arith.constant 16 : i32
      %shift_right_logical3A_278 = vector.broadcast %shift_right_logical3A_277 : i32 to vector<16xi32>
      %shift_right_logical3A_279 = arith.shrui %bitcast_convert_type3A_273, %shift_right_logical3A_278 : vector<16xi32>
      %and3A_280 = arith.constant 1 : i32
      %and3A_281 = vector.broadcast %and3A_280 : i32 to vector<16xi32>
      %and3A_282 = arith.andi %shift_right_logical3A_279, %and3A_281 : vector<16xi32>
      %add3A_283 = arith.addi %add3A_276, %and3A_282 : vector<16xi32>
      %and3A_284 = arith.constant -65536 : i32
      %and3A_285 = vector.broadcast %and3A_284 : i32 to vector<16xi32>
      %and3A_286 = arith.andi %add3A_283, %and3A_285 : vector<16xi32>
      %bitcast_convert_type3A_287 = tpu.bitcast %and3A_286 : vector<16xi32> -> vector<16xf32>
      %bitcast_convert_type3A_288 = tpu.bitcast %gather3A_257 : vector<16xf32> -> vector<16xi32>
      %add3A_289 = arith.constant 32767 : i32
      %add3A_290 = vector.broadcast %add3A_289 : i32 to vector<16xi32>
      %add3A_291 = arith.addi %bitcast_convert_type3A_288, %add3A_290 : vector<16xi32>
      %shift_right_logical3A_292 = arith.constant 16 : i32
      %shift_right_logical3A_293 = vector.broadcast %shift_right_logical3A_292 : i32 to vector<16xi32>
      %shift_right_logical3A_294 = arith.shrui %bitcast_convert_type3A_288, %shift_right_logical3A_293 : vector<16xi32>
      %and3A_295 = arith.constant 1 : i32
      %and3A_296 = vector.broadcast %and3A_295 : i32 to vector<16xi32>
      %and3A_297 = arith.andi %shift_right_logical3A_294, %and3A_296 : vector<16xi32>
      %add3A_298 = arith.addi %add3A_291, %and3A_297 : vector<16xi32>
      %and3A_299 = arith.constant -65536 : i32
      %and3A_300 = vector.broadcast %and3A_299 : i32 to vector<16xi32>
      %and3A_301 = arith.andi %add3A_298, %and3A_300 : vector<16xi32>
      %bitcast_convert_type3A_302 = tpu.bitcast %and3A_301 : vector<16xi32> -> vector<16xf32>
      %mul3A_303 = arith.mulf %gather3A_255, %gather3A_255 : vector<16xf32>
      %mul3A_304 = arith.mulf %gather3A_256, %gather3A_256 : vector<16xf32>
      %add3A_305 = arith.addf %mul3A_303, %mul3A_304 : vector<16xf32>
      %mul3A_306 = arith.mulf %gather3A_257, %gather3A_257 : vector<16xf32>
      %add3A_307 = arith.addf %add3A_305, %mul3A_306 : vector<16xf32>
      %while3A_308 = arith.constant 0 : i32
      %while3A_309 = arith.constant 0 : i32
      %while3A_310:2 = scf.while (%while3A_418 = %while3A_308, %while3A_419 = %while3A_309) : (i32, i32) -> (i32, i32) {
        %lt3A_420 = arith.constant 32 : i32
        %lt3A_421 = arith.cmpi slt, %while3A_419, %lt3A_420 : i32
        %lt3A_422 = arith.constant 256 : i32
        %lt3A_423 = arith.cmpi slt, %while3A_418, %lt3A_422 : i32
        %and3A_424 = arith.andi %lt3A_421, %lt3A_423 : i1
        scf.condition(%and3A_424) %while3A_418, %while3A_419 : i32, i32
      } do {
      ^bb0(%while3A_418: i32, %while3A_419: i32):
        %mul3A_420 = arith.constant 64 : i32
        %mul3A_421 = arith.muli %while3A_418, %mul3A_420 : i32
        %add3A_422 = arith.constant 0 : i32
        %add3A_423 = arith.addi %mul3A_421, %add3A_422 : i32
        %get3A = arith.index_cast %add3A_423 : i32 to index
        %get3A_424 = tpu.vector_load %arg17[%get3A] {strides = array<i32>} : memref<16384xf32, #tpu.memory_space<vmem>>, vector<16xf32>,
        %mul3A_425 = arith.mulf %bitcast_convert_type3A_272, %get3A_424 : vector<16xf32>
        %get3A_426 = arith.index_cast %add3A_423 : i32 to index
        %get3A_427 = tpu.vector_load %arg18[%get3A_426] {strides = array<i32>} : memref<16384xf32, #tpu.memory_space<vmem>>, vector<16xf32>,
        %mul3A_428 = arith.mulf %bitcast_convert_type3A_287, %get3A_427 : vector<16xf32>
        %get3A_429 = arith.index_cast %add3A_423 : i32 to index
        %get3A_430 = tpu.vector_load %arg13[%get3A_429] {strides = array<i32>} : memref<16384xf32, #tpu.memory_space<vmem>>, vector<16xf32>,
        %bitcast_convert_type3A_431 = tpu.bitcast %get3A_430 : vector<16xf32> -> vector<16xi32>
        %add3A_432 = arith.constant 32767 : i32
        %add3A_433 = vector.broadcast %add3A_432 : i32 to vector<16xi32>
        %add3A_434 = arith.addi %bitcast_convert_type3A_431, %add3A_433 : vector<16xi32>
        %shift_right_logical3A_435 = arith.constant 16 : i32
        %shift_right_logical3A_436 = vector.broadcast %shift_right_logical3A_435 : i32 to vector<16xi32>
        %shift_right_logical3A_437 = arith.shrui %bitcast_convert_type3A_431, %shift_right_logical3A_436 : vector<16xi32>
        %and3A_438 = arith.constant 1 : i32
        %and3A_439 = vector.broadcast %and3A_438 : i32 to vector<16xi32>
        %and3A_440 = arith.andi %shift_right_logical3A_437, %and3A_439 : vector<16xi32>
        %add3A_441 = arith.addi %add3A_434, %and3A_440 : vector<16xi32>
        %and3A_442 = arith.constant -65536 : i32
        %and3A_443 = vector.broadcast %and3A_442 : i32 to vector<16xi32>
        %and3A_444 = arith.andi %add3A_441, %and3A_443 : vector<16xi32>
        %bitcast_convert_type3A_445 = tpu.bitcast %and3A_444 : vector<16xi32> -> vector<16xf32>
        %mul3A_446 = arith.mulf %bitcast_convert_type3A_302, %bitcast_convert_type3A_445 : vector<16xf32>
        %add3A_447 = arith.addf %mul3A_428, %mul3A_446 : vector<16xf32>
        %add3A_448 = arith.addf %mul3A_425, %add3A_447 : vector<16xf32>
        %get3A_449 = arith.index_cast %add3A_423 : i32 to index
        %get3A_450 = tpu.vector_load %arg19[%get3A_449] {strides = array<i32>} : memref<16384xf32, #tpu.memory_space<vmem>>, vector<16xf32>,
        %add3A_451 = arith.addf %add3A_307, %get3A_450 : vector<16xf32>
        %mul3A_452 = arith.constant 2.000000e+00 : f32
        %mul3A_453 = vector.broadcast %mul3A_452 : f32 to vector<16xf32>
        %mul3A_454 = arith.mulf %mul3A_453, %add3A_448 : vector<16xf32>
        %sub3A_455 = arith.subf %add3A_451, %mul3A_454 : vector<16xf32>
        %le3A = arith.constant 4.000000e-02 : f32
        %le3A_456 = vector.broadcast %le3A : f32 to vector<16xf32>
        %le3A_457 = arith.cmpf ole, %sub3A_455, %le3A_456 : vector<16xf32>
        %convert_element_type3A_458 = arith.extui %le3A_457 : vector<16xi1> to vector<16xi32>
        %reduce_sum3A = arith.constant true
        %reduce_sum3A_459 = vector.broadcast %reduce_sum3A : i1 to vector<16xi1>
        %reduce_sum3A_460 = tpu.scan <sum>, %convert_element_type3A_458 masked %reduce_sum3A_459 : vector<16xi32>, vector<16xi1> -> vector<16xi32>
        %reduce_sum3A_461 = vector.extract %reduce_sum3A_460[15] : i32 from vector<16xi32>
        %add3A_462 = arith.constant 16 : i32
        %add3A_463 = arith.addi %mul3A_421, %add3A_462 : i32
        %get3A_464 = arith.index_cast %add3A_463 : i32 to index
        %get3A_465 = tpu.vector_load %arg17[%get3A_464] {strides = array<i32>} : memref<16384xf32, #tpu.memory_space<vmem>>, vector<16xf32>,
        %mul3A_466 = arith.mulf %bitcast_convert_type3A_272, %get3A_465 : vector<16xf32>
        %get3A_467 = arith.index_cast %add3A_463 : i32 to index
        %get3A_468 = tpu.vector_load %arg18[%get3A_467] {strides = array<i32>} : memref<16384xf32, #tpu.memory_space<vmem>>, vector<16xf32>,
        %mul3A_469 = arith.mulf %bitcast_convert_type3A_287, %get3A_468 : vector<16xf32>
        %get3A_470 = arith.index_cast %add3A_463 : i32 to index
        %get3A_471 = tpu.vector_load %arg13[%get3A_470] {strides = array<i32>} : memref<16384xf32, #tpu.memory_space<vmem>>, vector<16xf32>,
        %bitcast_convert_type3A_472 = tpu.bitcast %get3A_471 : vector<16xf32> -> vector<16xi32>
        %add3A_473 = arith.constant 32767 : i32
        %add3A_474 = vector.broadcast %add3A_473 : i32 to vector<16xi32>
        %add3A_475 = arith.addi %bitcast_convert_type3A_472, %add3A_474 : vector<16xi32>
        %shift_right_logical3A_476 = arith.constant 16 : i32
        %shift_right_logical3A_477 = vector.broadcast %shift_right_logical3A_476 : i32 to vector<16xi32>
        %shift_right_logical3A_478 = arith.shrui %bitcast_convert_type3A_472, %shift_right_logical3A_477 : vector<16xi32>
        %and3A_479 = arith.constant 1 : i32
        %and3A_480 = vector.broadcast %and3A_479 : i32 to vector<16xi32>
        %and3A_481 = arith.andi %shift_right_logical3A_478, %and3A_480 : vector<16xi32>
        %add3A_482 = arith.addi %add3A_475, %and3A_481 : vector<16xi32>
        %and3A_483 = arith.constant -65536 : i32
        %and3A_484 = vector.broadcast %and3A_483 : i32 to vector<16xi32>
        %and3A_485 = arith.andi %add3A_482, %and3A_484 : vector<16xi32>
        %bitcast_convert_type3A_486 = tpu.bitcast %and3A_485 : vector<16xi32> -> vector<16xf32>
        %mul3A_487 = arith.mulf %bitcast_convert_type3A_302, %bitcast_convert_type3A_486 : vector<16xf32>
        %add3A_488 = arith.addf %mul3A_469, %mul3A_487 : vector<16xf32>
        %add3A_489 = arith.addf %mul3A_466, %add3A_488 : vector<16xf32>
        %get3A_490 = arith.index_cast %add3A_463 : i32 to index
        %get3A_491 = tpu.vector_load %arg19[%get3A_490] {strides = array<i32>} : memref<16384xf32, #tpu.memory_space<vmem>>, vector<16xf32>,
        %add3A_492 = arith.addf %add3A_307, %get3A_491 : vector<16xf32>
        %mul3A_493 = arith.constant 2.000000e+00 : f32
        %mul3A_494 = vector.broadcast %mul3A_493 : f32 to vector<16xf32>
        %mul3A_495 = arith.mulf %mul3A_494, %add3A_489 : vector<16xf32>
        %sub3A_496 = arith.subf %add3A_492, %mul3A_495 : vector<16xf32>
        %le3A_497 = arith.constant 4.000000e-02 : f32
        %le3A_498 = vector.broadcast %le3A_497 : f32 to vector<16xf32>
        %le3A_499 = arith.cmpf ole, %sub3A_496, %le3A_498 : vector<16xf32>
        %convert_element_type3A_500 = arith.extui %le3A_499 : vector<16xi1> to vector<16xi32>
        %reduce_sum3A_501 = arith.constant true
        %reduce_sum3A_502 = vector.broadcast %reduce_sum3A_501 : i1 to vector<16xi1>
        %reduce_sum3A_503 = tpu.scan <sum>, %convert_element_type3A_500 masked %reduce_sum3A_502 : vector<16xi32>, vector<16xi1> -> vector<16xi32>
        %reduce_sum3A_504 = vector.extract %reduce_sum3A_503[15] : i32 from vector<16xi32>
        %add3A_505 = arith.constant 32 : i32
        %add3A_506 = arith.addi %mul3A_421, %add3A_505 : i32
        %get3A_507 = arith.index_cast %add3A_506 : i32 to index
        %get3A_508 = tpu.vector_load %arg17[%get3A_507] {strides = array<i32>} : memref<16384xf32, #tpu.memory_space<vmem>>, vector<16xf32>,
        %mul3A_509 = arith.mulf %bitcast_convert_type3A_272, %get3A_508 : vector<16xf32>
        %get3A_510 = arith.index_cast %add3A_506 : i32 to index
        %get3A_511 = tpu.vector_load %arg18[%get3A_510] {strides = array<i32>} : memref<16384xf32, #tpu.memory_space<vmem>>, vector<16xf32>,
        %mul3A_512 = arith.mulf %bitcast_convert_type3A_287, %get3A_511 : vector<16xf32>
        %get3A_513 = arith.index_cast %add3A_506 : i32 to index
        %get3A_514 = tpu.vector_load %arg13[%get3A_513] {strides = array<i32>} : memref<16384xf32, #tpu.memory_space<vmem>>, vector<16xf32>,
        %bitcast_convert_type3A_515 = tpu.bitcast %get3A_514 : vector<16xf32> -> vector<16xi32>
        %add3A_516 = arith.constant 32767 : i32
        %add3A_517 = vector.broadcast %add3A_516 : i32 to vector<16xi32>
        %add3A_518 = arith.addi %bitcast_convert_type3A_515, %add3A_517 : vector<16xi32>
        %shift_right_logical3A_519 = arith.constant 16 : i32
        %shift_right_logical3A_520 = vector.broadcast %shift_right_logical3A_519 : i32 to vector<16xi32>
        %shift_right_logical3A_521 = arith.shrui %bitcast_convert_type3A_515, %shift_right_logical3A_520 : vector<16xi32>
        %and3A_522 = arith.constant 1 : i32
        %and3A_523 = vector.broadcast %and3A_522 : i32 to vector<16xi32>
        %and3A_524 = arith.andi %shift_right_logical3A_521, %and3A_523 : vector<16xi32>
        %add3A_525 = arith.addi %add3A_518, %and3A_524 : vector<16xi32>
        %and3A_526 = arith.constant -65536 : i32
        %and3A_527 = vector.broadcast %and3A_526 : i32 to vector<16xi32>
        %and3A_528 = arith.andi %add3A_525, %and3A_527 : vector<16xi32>
        %bitcast_convert_type3A_529 = tpu.bitcast %and3A_528 : vector<16xi32> -> vector<16xf32>
        %mul3A_530 = arith.mulf %bitcast_convert_type3A_302, %bitcast_convert_type3A_529 : vector<16xf32>
        %add3A_531 = arith.addf %mul3A_512, %mul3A_530 : vector<16xf32>
        %add3A_532 = arith.addf %mul3A_509, %add3A_531 : vector<16xf32>
        %get3A_533 = arith.index_cast %add3A_506 : i32 to index
        %get3A_534 = tpu.vector_load %arg19[%get3A_533] {strides = array<i32>} : memref<16384xf32, #tpu.memory_space<vmem>>, vector<16xf32>,
        %add3A_535 = arith.addf %add3A_307, %get3A_534 : vector<16xf32>
        %mul3A_536 = arith.constant 2.000000e+00 : f32
        %mul3A_537 = vector.broadcast %mul3A_536 : f32 to vector<16xf32>
        %mul3A_538 = arith.mulf %mul3A_537, %add3A_532 : vector<16xf32>
        %sub3A_539 = arith.subf %add3A_535, %mul3A_538 : vector<16xf32>
        %le3A_540 = arith.constant 4.000000e-02 : f32
        %le3A_541 = vector.broadcast %le3A_540 : f32 to vector<16xf32>
        %le3A_542 = arith.cmpf ole, %sub3A_539, %le3A_541 : vector<16xf32>
        %convert_element_type3A_543 = arith.extui %le3A_542 : vector<16xi1> to vector<16xi32>
        %reduce_sum3A_544 = arith.constant true
        %reduce_sum3A_545 = vector.broadcast %reduce_sum3A_544 : i1 to vector<16xi1>
        %reduce_sum3A_546 = tpu.scan <sum>, %convert_element_type3A_543 masked %reduce_sum3A_545 : vector<16xi32>, vector<16xi1> -> vector<16xi32>
        %reduce_sum3A_547 = vector.extract %reduce_sum3A_546[15] : i32 from vector<16xi32>
        %add3A_548 = arith.constant 48 : i32
        %add3A_549 = arith.addi %mul3A_421, %add3A_548 : i32
        %get3A_550 = arith.index_cast %add3A_549 : i32 to index
        %get3A_551 = tpu.vector_load %arg17[%get3A_550] {strides = array<i32>} : memref<16384xf32, #tpu.memory_space<vmem>>, vector<16xf32>,
        %mul3A_552 = arith.mulf %bitcast_convert_type3A_272, %get3A_551 : vector<16xf32>
        %get3A_553 = arith.index_cast %add3A_549 : i32 to index
        %get3A_554 = tpu.vector_load %arg18[%get3A_553] {strides = array<i32>} : memref<16384xf32, #tpu.memory_space<vmem>>, vector<16xf32>,
        %mul3A_555 = arith.mulf %bitcast_convert_type3A_287, %get3A_554 : vector<16xf32>
        %get3A_556 = arith.index_cast %add3A_549 : i32 to index
        %get3A_557 = tpu.vector_load %arg13[%get3A_556] {strides = array<i32>} : memref<16384xf32, #tpu.memory_space<vmem>>, vector<16xf32>,
        %bitcast_convert_type3A_558 = tpu.bitcast %get3A_557 : vector<16xf32> -> vector<16xi32>
        %add3A_559 = arith.constant 32767 : i32
        %add3A_560 = vector.broadcast %add3A_559 : i32 to vector<16xi32>
        %add3A_561 = arith.addi %bitcast_convert_type3A_558, %add3A_560 : vector<16xi32>
        %shift_right_logical3A_562 = arith.constant 16 : i32
        %shift_right_logical3A_563 = vector.broadcast %shift_right_logical3A_562 : i32 to vector<16xi32>
        %shift_right_logical3A_564 = arith.shrui %bitcast_convert_type3A_558, %shift_right_logical3A_563 : vector<16xi32>
        %and3A_565 = arith.constant 1 : i32
        %and3A_566 = vector.broadcast %and3A_565 : i32 to vector<16xi32>
        %and3A_567 = arith.andi %shift_right_logical3A_564, %and3A_566 : vector<16xi32>
        %add3A_568 = arith.addi %add3A_561, %and3A_567 : vector<16xi32>
        %and3A_569 = arith.constant -65536 : i32
        %and3A_570 = vector.broadcast %and3A_569 : i32 to vector<16xi32>
        %and3A_571 = arith.andi %add3A_568, %and3A_570 : vector<16xi32>
        %bitcast_convert_type3A_572 = tpu.bitcast %and3A_571 : vector<16xi32> -> vector<16xf32>
        %mul3A_573 = arith.mulf %bitcast_convert_type3A_302, %bitcast_convert_type3A_572 : vector<16xf32>
        %add3A_574 = arith.addf %mul3A_555, %mul3A_573 : vector<16xf32>
        %add3A_575 = arith.addf %mul3A_552, %add3A_574 : vector<16xf32>
        %get3A_576 = arith.index_cast %add3A_549 : i32 to index
        %get3A_577 = tpu.vector_load %arg19[%get3A_576] {strides = array<i32>} : memref<16384xf32, #tpu.memory_space<vmem>>, vector<16xf32>,
        %add3A_578 = arith.addf %add3A_307, %get3A_577 : vector<16xf32>
        %mul3A_579 = arith.constant 2.000000e+00 : f32
        %mul3A_580 = vector.broadcast %mul3A_579 : f32 to vector<16xf32>
        %mul3A_581 = arith.mulf %mul3A_580, %add3A_575 : vector<16xf32>
        %sub3A_582 = arith.subf %add3A_578, %mul3A_581 : vector<16xf32>
        %le3A_583 = arith.constant 4.000000e-02 : f32
        %le3A_584 = vector.broadcast %le3A_583 : f32 to vector<16xf32>
        %le3A_585 = arith.cmpf ole, %sub3A_582, %le3A_584 : vector<16xf32>
        %convert_element_type3A_586 = arith.extui %le3A_585 : vector<16xi1> to vector<16xi32>
        %reduce_sum3A_587 = arith.constant true
        %reduce_sum3A_588 = vector.broadcast %reduce_sum3A_587 : i1 to vector<16xi1>
        %reduce_sum3A_589 = tpu.scan <sum>, %convert_element_type3A_586 masked %reduce_sum3A_588 : vector<16xi32>, vector<16xi1> -> vector<16xi32>
        %reduce_sum3A_590 = vector.extract %reduce_sum3A_589[15] : i32 from vector<16xi32>
        %add3A_591 = arith.constant 0 : i32
        %add3A_592 = arith.addi %mul3A_421, %add3A_591 : i32
        %add3A_593 = vector.broadcast %add3A_592 : i32 to vector<16xi32>
        %add3A_594 = arith.addi %iota3A, %add3A_593 : vector<16xi32>
        %swap3A_595 = arith.index_cast %while3A_419 : i32 to index
        %swap3A_596 = tpu.vector_load %arg20[%swap3A_595] masked %le3A_457 {strides = array<i32>} : memref<128xi32, #tpu.memory_space<vmem>>, vector<16xi32>, vector<16xi1>
        tpu.vector_store %arg20[%swap3A_595], %add3A_594 masked %le3A_457 {strides = array<i32>} : memref<128xi32, #tpu.memory_space<vmem>>, vector<16xi32>, vector<16xi1>
        %add3A_597 = arith.addi %while3A_419, %reduce_sum3A_461 : i32
        %add3A_598 = arith.constant 16 : i32
        %add3A_599 = arith.addi %mul3A_421, %add3A_598 : i32
        %add3A_600 = vector.broadcast %add3A_599 : i32 to vector<16xi32>
        %add3A_601 = arith.addi %iota3A, %add3A_600 : vector<16xi32>
        %swap3A_602 = arith.index_cast %add3A_597 : i32 to index
        %swap3A_603 = tpu.vector_load %arg20[%swap3A_602] masked %le3A_499 {strides = array<i32>} : memref<128xi32, #tpu.memory_space<vmem>>, vector<16xi32>, vector<16xi1>
        tpu.vector_store %arg20[%swap3A_602], %add3A_601 masked %le3A_499 {strides = array<i32>} : memref<128xi32, #tpu.memory_space<vmem>>, vector<16xi32>, vector<16xi1>
        %add3A_604 = arith.addi %add3A_597, %reduce_sum3A_504 : i32
        %add3A_605 = arith.constant 32 : i32
        %add3A_606 = arith.addi %mul3A_421, %add3A_605 : i32
        %add3A_607 = vector.broadcast %add3A_606 : i32 to vector<16xi32>
        %add3A_608 = arith.addi %iota3A, %add3A_607 : vector<16xi32>
        %swap3A_609 = arith.index_cast %add3A_604 : i32 to index
        %swap3A_610 = tpu.vector_load %arg20[%swap3A_609] masked %le3A_542 {strides = array<i32>} : memref<128xi32, #tpu.memory_space<vmem>>, vector<16xi32>, vector<16xi1>
        tpu.vector_store %arg20[%swap3A_609], %add3A_608 masked %le3A_542 {strides = array<i32>} : memref<128xi32, #tpu.memory_space<vmem>>, vector<16xi32>, vector<16xi1>
        %add3A_611 = arith.addi %add3A_604, %reduce_sum3A_547 : i32
        %add3A_612 = arith.constant 48 : i32
        %add3A_613 = arith.addi %mul3A_421, %add3A_612 : i32
        %add3A_614 = vector.broadcast %add3A_613 : i32 to vector<16xi32>
        %add3A_615 = arith.addi %iota3A, %add3A_614 : vector<16xi32>
        %swap3A_616 = arith.index_cast %add3A_611 : i32 to index
        %swap3A_617 = tpu.vector_load %arg20[%swap3A_616] masked %le3A_585 {strides = array<i32>} : memref<128xi32, #tpu.memory_space<vmem>>, vector<16xi32>, vector<16xi1>
        tpu.vector_store %arg20[%swap3A_616], %add3A_615 masked %le3A_585 {strides = array<i32>} : memref<128xi32, #tpu.memory_space<vmem>>, vector<16xi32>, vector<16xi1>
        %add3A_618 = arith.addi %add3A_611, %reduce_sum3A_590 : i32
        %add3A_619 = arith.constant 1 : i32
        %add3A_620 = arith.addi %while3A_418, %add3A_619 : i32
        scf.yield %add3A_620, %add3A_618 : i32, i32
      }
      %add3A_311 = vector.broadcast %while3A_310#1 : i32 to vector<16xi32>
      %add3A_312 = arith.addi %broadcast_in_dim3A_48, %add3A_311 : vector<16xi32>
      %add3A_313 = arith.constant 0 : i32
      %add3A_314 = vector.broadcast %add3A_313 : i32 to vector<16xi32>
      %add3A_315 = arith.addi %iota3A, %add3A_314 : vector<16xi32>
      %lt3A_316 = arith.cmpi slt, %add3A_315, %add3A_312 : vector<16xi32>
      %jit3A_317 = arith.constant 0 : i32
      %broadcast_in_dim3A_318 = vector.broadcast %jit3A_317 : i32 to vector<16xi32>
      %select_n3A_319 = arith.select %lt3A_316, %add3A_315, %broadcast_in_dim3A_318 : vector<16xi1>, vector<16xi32>
      %gather3A_320 = tpu.vector_load_idx %arg20[%select_n3A_319] : memref<128xi32, #tpu.memory_space<vmem>>[vector<16xi32>], vector<16xi32>,
      %gt3A_321 = arith.constant 0 : i32
      %gt3A_322 = vector.broadcast %gt3A_321 : i32 to vector<16xi32>
      %gt3A_323 = arith.cmpi sgt, %add3A_312, %gt3A_322 : vector<16xi32>
      %jit3A_324 = arith.constant 16383 : i32
      %broadcast_in_dim3A_325 = vector.broadcast %jit3A_324 : i32 to vector<16xi32>
      %select_n3A_326 = arith.select %gt3A_323, %gather3A_320, %broadcast_in_dim3A_325 : vector<16xi1>, vector<16xi32>
      %gather3A_327 = tpu.vector_load_idx %arg11[%select_n3A_326] : memref<16384xf32, #tpu.memory_space<vmem>>[vector<16xi32>], vector<16xf32>,
      %sub3A_328 = arith.subf %gather3A_327, %gather3A_255 : vector<16xf32>
      %swap3A_329 = arith.index_cast %add3A_252 : i32 to index
      %swap3A_330 = arith.constant 0 : index
      %swap3A_331 = tpu.vector_load %arg22[%swap3A_329, %swap3A_330] {strides = array<i32>} : memref<128x32xf32, #tpu.memory_space<vmem>>, vector<16xf32>,
      tpu.vector_store %arg22[%swap3A_329, %swap3A_330], %sub3A_328 {strides = array<i32>} : memref<128x32xf32, #tpu.memory_space<vmem>>, vector<16xf32>,
      %gather3A_332 = tpu.vector_load_idx %arg12[%select_n3A_326] : memref<16384xf32, #tpu.memory_space<vmem>>[vector<16xi32>], vector<16xf32>,
      %sub3A_333 = arith.subf %gather3A_332, %gather3A_256 : vector<16xf32>
      %swap3A_334 = arith.index_cast %add3A_252 : i32 to index
      %swap3A_335 = arith.constant 0 : index
      %swap3A_336 = tpu.vector_load %arg23[%swap3A_334, %swap3A_335] {strides = array<i32>} : memref<128x32xf32, #tpu.memory_space<vmem>>, vector<16xf32>,
      tpu.vector_store %arg23[%swap3A_334, %swap3A_335], %sub3A_333 {strides = array<i32>} : memref<128x32xf32, #tpu.memory_space<vmem>>, vector<16xf32>,
      %gather3A_337 = tpu.vector_load_idx %arg13[%select_n3A_326] : memref<16384xf32, #tpu.memory_space<vmem>>[vector<16xi32>], vector<16xf32>,
      %sub3A_338 = arith.subf %gather3A_337, %gather3A_257 : vector<16xf32>
      %swap3A_339 = arith.index_cast %add3A_252 : i32 to index
      %swap3A_340 = arith.constant 0 : index
      %swap3A_341 = tpu.vector_load %arg24[%swap3A_339, %swap3A_340] {strides = array<i32>} : memref<128x32xf32, #tpu.memory_space<vmem>>, vector<16xf32>,
      tpu.vector_store %arg24[%swap3A_339, %swap3A_340], %sub3A_338 {strides = array<i32>} : memref<128x32xf32, #tpu.memory_space<vmem>>, vector<16xf32>,
      %mul3A_342 = arith.constant 16384 : i32
      %mul3A_343 = arith.muli %select_n3A, %mul3A_342 : i32
      %add3A_344 = vector.broadcast %mul3A_343 : i32 to vector<16xi32>
      %add3A_345 = arith.addi %select_n3A_326, %add3A_344 : vector<16xi32>
      %swap3A_346 = arith.index_cast %scan3A_118 : i32 to index
      %swap3A_347 = arith.constant 32 : index
      %swap3A_348 = tpu.vector_load %arg21[%swap3A_346, %swap3A_347] {strides = array<i32>} : memref<64x64xi32, #tpu.memory_space<vmem>>, vector<16xi32>,
      tpu.vector_store %arg21[%swap3A_346, %swap3A_347], %add3A_345 {strides = array<i32>} : memref<64x64xi32, #tpu.memory_space<vmem>>, vector<16xi32>,
      %add3A_349 = arith.constant 16 : i32
      %add3A_350 = vector.broadcast %add3A_349 : i32 to vector<16xi32>
      %add3A_351 = arith.addi %iota3A, %add3A_350 : vector<16xi32>
      %lt3A_352 = arith.cmpi slt, %add3A_351, %add3A_312 : vector<16xi32>
      %jit3A_353 = arith.constant 0 : i32
      %broadcast_in_dim3A_354 = vector.broadcast %jit3A_353 : i32 to vector<16xi32>
      %select_n3A_355 = arith.select %lt3A_352, %add3A_351, %broadcast_in_dim3A_354 : vector<16xi1>, vector<16xi32>
      %gather3A_356 = tpu.vector_load_idx %arg20[%select_n3A_355] : memref<128xi32, #tpu.memory_space<vmem>>[vector<16xi32>], vector<16xi32>,
      %gt3A_357 = arith.constant 0 : i32
      %gt3A_358 = vector.broadcast %gt3A_357 : i32 to vector<16xi32>
      %gt3A_359 = arith.cmpi sgt, %add3A_312, %gt3A_358 : vector<16xi32>
      %jit3A_360 = arith.constant 16383 : i32
      %broadcast_in_dim3A_361 = vector.broadcast %jit3A_360 : i32 to vector<16xi32>
      %select_n3A_362 = arith.select %gt3A_359, %gather3A_356, %broadcast_in_dim3A_361 : vector<16xi1>, vector<16xi32>
      %gather3A_363 = tpu.vector_load_idx %arg11[%select_n3A_362] : memref<16384xf32, #tpu.memory_space<vmem>>[vector<16xi32>], vector<16xf32>,
      %sub3A_364 = arith.subf %gather3A_363, %gather3A_255 : vector<16xf32>
      %swap3A_365 = arith.index_cast %add3A_252 : i32 to index
      %swap3A_366 = arith.constant 16 : index
      %swap3A_367 = tpu.vector_load %arg22[%swap3A_365, %swap3A_366] {strides = array<i32>} : memref<128x32xf32, #tpu.memory_space<vmem>>, vector<16xf32>,
      tpu.vector_store %arg22[%swap3A_365, %swap3A_366], %sub3A_364 {strides = array<i32>} : memref<128x32xf32, #tpu.memory_space<vmem>>, vector<16xf32>,
      %gather3A_368 = tpu.vector_load_idx %arg12[%select_n3A_362] : memref<16384xf32, #tpu.memory_space<vmem>>[vector<16xi32>], vector<16xf32>,
      %sub3A_369 = arith.subf %gather3A_368, %gather3A_256 : vector<16xf32>
      %swap3A_370 = arith.index_cast %add3A_252 : i32 to index
      %swap3A_371 = arith.constant 16 : index
      %swap3A_372 = tpu.vector_load %arg23[%swap3A_370, %swap3A_371] {strides = array<i32>} : memref<128x32xf32, #tpu.memory_space<vmem>>, vector<16xf32>,
      tpu.vector_store %arg23[%swap3A_370, %swap3A_371], %sub3A_369 {strides = array<i32>} : memref<128x32xf32, #tpu.memory_space<vmem>>, vector<16xf32>,
      %gather3A_373 = tpu.vector_load_idx %arg13[%select_n3A_362] : memref<16384xf32, #tpu.memory_space<vmem>>[vector<16xi32>], vector<16xf32>,
      %sub3A_374 = arith.subf %gather3A_373, %gather3A_257 : vector<16xf32>
      %swap3A_375 = arith.index_cast %add3A_252 : i32 to index
      %swap3A_376 = arith.constant 16 : index
      %swap3A_377 = tpu.vector_load %arg24[%swap3A_375, %swap3A_376] {strides = array<i32>} : memref<128x32xf32, #tpu.memory_space<vmem>>, vector<16xf32>,
      tpu.vector_store %arg24[%swap3A_375, %swap3A_376], %sub3A_374 {strides = array<i32>} : memref<128x32xf32, #tpu.memory_space<vmem>>, vector<16xf32>,
      %mul3A_378 = arith.constant 16384 : i32
      %mul3A_379 = arith.muli %select_n3A, %mul3A_378 : i32
      %add3A_380 = vector.broadcast %mul3A_379 : i32 to vector<16xi32>
      %add3A_381 = arith.addi %select_n3A_362, %add3A_380 : vector<16xi32>
      %swap3A_382 = arith.index_cast %scan3A_118 : i32 to index
      %swap3A_383 = arith.constant 48 : index
      %swap3A_384 = tpu.vector_load %arg21[%swap3A_382, %swap3A_383] {strides = array<i32>} : memref<64x64xi32, #tpu.memory_space<vmem>>, vector<16xi32>,
      tpu.vector_store %arg21[%swap3A_382, %swap3A_383], %add3A_381 {strides = array<i32>} : memref<64x64xi32, #tpu.memory_space<vmem>>, vector<16xi32>,
      %ge3A = arith.constant 2 : i32
      %ge3A_385 = arith.cmpi sge, %scan3A_118, %ge3A : i32
      %convert_element_type3A = arith.extui %ge3A_385 : i1 to i32
      %cond3A = arith.constant 0 : i32
      %cond3A_386 = arith.cmpi ne, %convert_element_type3A, %cond3A : i32
      scf.if %cond3A_386 {
        %dma_wait3A_418 = arith.constant 0 : i32
        %dma_wait3A_419 = arith.constant 0 : i32
        %dma_wait3A_420 = arith.constant 0 : i32
        %dma_wait3A_421 = tpu.memref_slice %arg25[%dma_wait3A_418, %dma_wait3A_419, %dma_wait3A_420] : memref<2x64x64xf32, #tpu.memory_space<vmem>> -> memref<1x64x64xf32, #tpu.memory_space<vmem>>
        %dma_wait3A_422 = tpu.memref_squeeze %dma_wait3A_421 : memref<1x64x64xf32, #tpu.memory_space<vmem>> -> memref<64x64xf32, #tpu.memory_space<vmem>>
        %dma_wait3A_423 = arith.constant 0 : i32
        %dma_wait3A_424 = tpu.memref_slice %arg10[%mul3A_53, %dma_wait3A_423] : memref<131072x64xf32, #tpu.memory_space<hbm>> -> memref<64x64xf32, #tpu.memory_space<hbm>>
        %dma_wait3A_425 = arith.constant 0 : i32
        %dma_wait3A_426 = tpu.memref_slice %arg10[%mul3A_53, %dma_wait3A_425] : memref<131072x64xf32, #tpu.memory_space<hbm>> -> memref<64x64xf32, #tpu.memory_space<hbm>>
        %dma_wait3A_427 = arith.constant 0 : i32
        %dma_wait3A_428 = arith.constant 0 : i32
        %dma_wait3A_429 = tpu.memref_slice %arg25[%dma_wait3A_418, %dma_wait3A_427, %dma_wait3A_428] : memref<2x64x64xf32, #tpu.memory_space<vmem>> -> memref<1x64x64xf32, #tpu.memory_space<vmem>>
        %dma_wait3A_430 = tpu.memref_squeeze %dma_wait3A_429 : memref<1x64x64xf32, #tpu.memory_space<vmem>> -> memref<64x64xf32, #tpu.memory_space<vmem>>
        tpu.wait_dma2 semaphore(%arg27 : memref<!tpu.dma_semaphore, #tpu.memory_space<semaphore_mem>>) src(%dma_wait3A_430 : memref<64x64xf32, #tpu.memory_space<vmem>>) dst(%dma_wait3A_426 : memref<64x64xf32, #tpu.memory_space<hbm>>)
      } else {
      }
      %jit3A_387 = arith.constant 2 : i32
      %eq3A_388 = arith.constant 0 : i32
      %eq3A_389 = arith.cmpi eq, %jit3A_387, %eq3A_388 : i32
      %jit3A_390 = arith.constant 1 : i32
      %select_n3A_391 = arith.select %eq3A_389, %jit3A_390, %jit3A_387 : i32
      %rem3A_392 = arith.remsi %scan3A_118, %select_n3A_391 : i32
      %ne3A_393 = arith.constant 0 : i32
      %ne3A_394 = arith.cmpi ne, %rem3A_392, %ne3A_393 : i32
      %lt3A_395 = arith.constant 0 : i32
      %lt3A_396 = arith.cmpi slt, %rem3A_392, %lt3A_395 : i32
      %lt3A_397 = arith.constant 0 : i32
      %lt3A_398 = arith.cmpi slt, %select_n3A_391, %lt3A_397 : i32
      %ne3A_399 = arith.xori %lt3A_396, %lt3A_398 : i1
      %and3A_400 = arith.andi %ne3A_399, %ne3A_394 : i1
      %add3A_401 = arith.addi %rem3A_392, %select_n3A_391 : i32
      %select_n3A_402 = arith.select %and3A_400, %add3A_401, %rem3A_392 : i32
      %dma_start3A_403 = arith.constant 0 : i32
      %dma_start3A_404 = arith.constant 0 : i32
      %dma_start3A_405 = tpu.memref_slice %arg25[%select_n3A_402, %dma_start3A_403, %dma_start3A_404] : memref<2x64x64xf32, #tpu.memory_space<vmem>> -> memref<1x64x64xf32, #tpu.memory_space<vmem>>
      %dma_start3A_406 = tpu.memref_squeeze %dma_start3A_405 : memref<1x64x64xf32, #tpu.memory_space<vmem>> -> memref<64x64xf32, #tpu.memory_space<vmem>>
      %dma_start3A_407 = arith.constant 0 : i32
      %dma_start3A_408 = tpu.memref_slice %arg21[%scan3A_118, %dma_start3A_407] : memref<64x64xi32, #tpu.memory_space<vmem>> -> memref<1x64xi32, #tpu.memory_space<vmem>>
      %dma_start3A_409 = tpu.memref_squeeze %dma_start3A_408 : memref<1x64xi32, #tpu.memory_space<vmem>> -> memref<64xi32, #tpu.memory_space<vmem>>
      %dma_start3A_410 = arith.constant 0 : i32
      %dma_start3A_411 = arith.constant 0 : i32
      %dma_start3A_412 = tpu.memref_slice %arg8[%dma_start3A_410, %dma_start3A_411] : memref<65536x64xf32, #tpu.memory_space<hbm>> -> memref<65536x64xf32, #tpu.memory_space<hbm>>
      tpu.enqueue_indirect_dma source(%dma_start3A_412 : memref<65536x64xf32, #tpu.memory_space<hbm>>) target(%dma_start3A_406 : memref<64x64xf32, #tpu.memory_space<vmem>>) offsets(%dma_start3A_409 : memref<64xi32, #tpu.memory_space<vmem>>) semaphore(%arg26 : memref<!tpu.dma_semaphore, #tpu.memory_space<semaphore_mem>>)
      %ge3A_413 = arith.constant 1 : i32
      %ge3A_414 = arith.cmpi sge, %scan3A_118, %ge3A_413 : i32
      %convert_element_type3A_415 = arith.extui %ge3A_414 : i1 to i32
      %cond3A_416 = arith.constant 0 : i32
      %cond3A_417 = arith.cmpi ne, %convert_element_type3A_415, %cond3A_416 : i32
      scf.if %cond3A_417 {
        %dma_wait3A_418 = arith.constant 0 : i32
        %dma_wait3A_419 = arith.constant 0 : i32
        %dma_wait3A_420 = arith.constant 0 : i32
        %dma_wait3A_421 = arith.constant 0 : i32
        %dma_wait3A_422 = tpu.memref_slice %arg25[%dma_wait3A_419, %dma_wait3A_420, %dma_wait3A_421] : memref<2x64x64xf32, #tpu.memory_space<vmem>> -> memref<1x64x64xf32, #tpu.memory_space<vmem>>
        %dma_wait3A_423 = tpu.memref_squeeze %dma_wait3A_422 : memref<1x64x64xf32, #tpu.memory_space<vmem>> -> memref<64x64xf32, #tpu.memory_space<vmem>>
        %dma_wait3A_424 = arith.constant 0 : i32
        %dma_wait3A_425 = tpu.memref_slice %arg21[%dma_wait3A_418, %dma_wait3A_424] : memref<64x64xi32, #tpu.memory_space<vmem>> -> memref<1x64xi32, #tpu.memory_space<vmem>>
        %dma_wait3A_426 = tpu.memref_squeeze %dma_wait3A_425 : memref<1x64xi32, #tpu.memory_space<vmem>> -> memref<64xi32, #tpu.memory_space<vmem>>
        %dma_wait3A_427 = arith.constant 0 : i32
        %dma_wait3A_428 = arith.constant 0 : i32
        %dma_wait3A_429 = tpu.memref_slice %arg8[%dma_wait3A_427, %dma_wait3A_428] : memref<65536x64xf32, #tpu.memory_space<hbm>> -> memref<65536x64xf32, #tpu.memory_space<hbm>>
        tpu.wait_indirect_dma semaphore(%arg26 : memref<!tpu.dma_semaphore, #tpu.memory_space<semaphore_mem>>) src(%dma_wait3A_429 : memref<65536x64xf32, #tpu.memory_space<hbm>>) dst(%dma_wait3A_423 : memref<64x64xf32, #tpu.memory_space<vmem>>)
        %add3A_430 = arith.constant 1 : i32
        %add3A_431 = arith.addi %scan3A_118, %add3A_430 : i32
        %jit3A_432 = arith.constant 2 : i32
        %eq3A_433 = arith.constant 0 : i32
        %eq3A_434 = arith.cmpi eq, %jit3A_432, %eq3A_433 : i32
        %jit3A_435 = arith.constant 1 : i32
        %select_n3A_436 = arith.select %eq3A_434, %jit3A_435, %jit3A_432 : i32
        %rem3A_437 = arith.remsi %add3A_431, %select_n3A_436 : i32
        %ne3A_438 = arith.constant 0 : i32
        %ne3A_439 = arith.cmpi ne, %rem3A_437, %ne3A_438 : i32
        %lt3A_440 = arith.constant 0 : i32
        %lt3A_441 = arith.cmpi slt, %rem3A_437, %lt3A_440 : i32
        %lt3A_442 = arith.constant 0 : i32
        %lt3A_443 = arith.cmpi slt, %select_n3A_436, %lt3A_442 : i32
        %ne3A_444 = arith.xori %lt3A_441, %lt3A_443 : i1
        %and3A_445 = arith.andi %ne3A_444, %ne3A_439 : i1
        %add3A_446 = arith.addi %rem3A_437, %select_n3A_436 : i32
        %select_n3A_447 = arith.select %and3A_445, %add3A_446, %rem3A_437 : i32
        %sub3A_448 = arith.constant 1 : i32
        %sub3A_449 = arith.subi %scan3A_118, %sub3A_448 : i32
        %mul3A_450 = arith.constant 64 : i32
        %mul3A_451 = arith.muli %sub3A_449, %mul3A_450 : i32
        %add3A_452 = arith.addi %mul3A_53, %mul3A_451 : i32
        %dma_start3A_453 = arith.constant 0 : i32
        %dma_start3A_454 = arith.constant 0 : i32
        %dma_start3A_455 = tpu.memref_slice %arg25[%select_n3A_447, %dma_start3A_453, %dma_start3A_454] : memref<2x64x64xf32, #tpu.memory_space<vmem>> -> memref<1x64x64xf32, #tpu.memory_space<vmem>>
        %dma_start3A_456 = tpu.memref_squeeze %dma_start3A_455 : memref<1x64x64xf32, #tpu.memory_space<vmem>> -> memref<64x64xf32, #tpu.memory_space<vmem>>
        %dma_start3A_457 = arith.constant 0 : i32
        %dma_start3A_458 = tpu.memref_slice %arg10[%add3A_452, %dma_start3A_457] : memref<131072x64xf32, #tpu.memory_space<hbm>> -> memref<64x64xf32, #tpu.memory_space<hbm>>
        %dma_start3A_459 = arith.constant 0 : i32
        %dma_start3A_460 = tpu.memref_slice %arg10[%add3A_452, %dma_start3A_459] : memref<131072x64xf32, #tpu.memory_space<hbm>> -> memref<64x64xf32, #tpu.memory_space<hbm>>
        %dma_start3A_461 = arith.constant 0 : i32
        %dma_start3A_462 = arith.constant 0 : i32
        %dma_start3A_463 = tpu.memref_slice %arg25[%select_n3A_447, %dma_start3A_461, %dma_start3A_462] : memref<2x64x64xf32, #tpu.memory_space<vmem>> -> memref<1x64x64xf32, #tpu.memory_space<vmem>>
        %dma_start3A_464 = tpu.memref_squeeze %dma_start3A_463 : memref<1x64x64xf32, #tpu.memory_space<vmem>> -> memref<64x64xf32, #tpu.memory_space<vmem>>
        tpu.enqueue_dma source(%dma_start3A_464 : memref<64x64xf32, #tpu.memory_space<vmem>>) target(%dma_start3A_460 : memref<64x64xf32, #tpu.memory_space<hbm>>) target_semaphore(%arg27 : memref<!tpu.dma_semaphore, #tpu.memory_space<semaphore_mem>>)
      } else {
      }
    }
    %scan3A_64 = arith.constant 64 : i32
    %dma_wait3A = arith.constant 0 : i32
    %dma_wait3A_65 = arith.constant 0 : i32
    %dma_wait3A_66 = arith.constant 0 : i32
    %dma_wait3A_67 = arith.constant 0 : i32
    %dma_wait3A_68 = tpu.memref_slice %arg25[%dma_wait3A_65, %dma_wait3A_66, %dma_wait3A_67] : memref<2x64x64xf32, #tpu.memory_space<vmem>> -> memref<1x64x64xf32, #tpu.memory_space<vmem>>
    %dma_wait3A_69 = tpu.memref_squeeze %dma_wait3A_68 : memref<1x64x64xf32, #tpu.memory_space<vmem>> -> memref<64x64xf32, #tpu.memory_space<vmem>>
    %dma_wait3A_70 = arith.constant 0 : i32
    %dma_wait3A_71 = tpu.memref_slice %arg21[%dma_wait3A, %dma_wait3A_70] : memref<64x64xi32, #tpu.memory_space<vmem>> -> memref<1x64xi32, #tpu.memory_space<vmem>>
    %dma_wait3A_72 = tpu.memref_squeeze %dma_wait3A_71 : memref<1x64xi32, #tpu.memory_space<vmem>> -> memref<64xi32, #tpu.memory_space<vmem>>
    %dma_wait3A_73 = arith.constant 0 : i32
    %dma_wait3A_74 = arith.constant 0 : i32
    %dma_wait3A_75 = tpu.memref_slice %arg8[%dma_wait3A_73, %dma_wait3A_74] : memref<65536x64xf32, #tpu.memory_space<hbm>> -> memref<65536x64xf32, #tpu.memory_space<hbm>>
    tpu.wait_indirect_dma semaphore(%arg26 : memref<!tpu.dma_semaphore, #tpu.memory_space<semaphore_mem>>) src(%dma_wait3A_75 : memref<65536x64xf32, #tpu.memory_space<hbm>>) dst(%dma_wait3A_69 : memref<64x64xf32, #tpu.memory_space<vmem>>)
    %add3A_76 = arith.constant 4032 : i32
    %add3A_77 = arith.addi %mul3A_53, %add3A_76 : i32
    %dma_start3A = arith.constant 1 : i32
    %dma_start3A_78 = arith.constant 0 : i32
    %dma_start3A_79 = arith.constant 0 : i32
    %dma_start3A_80 = tpu.memref_slice %arg25[%dma_start3A, %dma_start3A_78, %dma_start3A_79] : memref<2x64x64xf32, #tpu.memory_space<vmem>> -> memref<1x64x64xf32, #tpu.memory_space<vmem>>
    %dma_start3A_81 = tpu.memref_squeeze %dma_start3A_80 : memref<1x64x64xf32, #tpu.memory_space<vmem>> -> memref<64x64xf32, #tpu.memory_space<vmem>>
    %dma_start3A_82 = arith.constant 0 : i32
    %dma_start3A_83 = tpu.memref_slice %arg10[%add3A_77, %dma_start3A_82] : memref<131072x64xf32, #tpu.memory_space<hbm>> -> memref<64x64xf32, #tpu.memory_space<hbm>>
    %dma_start3A_84 = arith.constant 0 : i32
    %dma_start3A_85 = tpu.memref_slice %arg10[%add3A_77, %dma_start3A_84] : memref<131072x64xf32, #tpu.memory_space<hbm>> -> memref<64x64xf32, #tpu.memory_space<hbm>>
    %dma_start3A_86 = arith.constant 0 : i32
    %dma_start3A_87 = arith.constant 0 : i32
    %dma_start3A_88 = tpu.memref_slice %arg25[%dma_start3A, %dma_start3A_86, %dma_start3A_87] : memref<2x64x64xf32, #tpu.memory_space<vmem>> -> memref<1x64x64xf32, #tpu.memory_space<vmem>>
    %dma_start3A_89 = tpu.memref_squeeze %dma_start3A_88 : memref<1x64x64xf32, #tpu.memory_space<vmem>> -> memref<64x64xf32, #tpu.memory_space<vmem>>
    tpu.enqueue_dma source(%dma_start3A_89 : memref<64x64xf32, #tpu.memory_space<vmem>>) target(%dma_start3A_85 : memref<64x64xf32, #tpu.memory_space<hbm>>) target_semaphore(%arg27 : memref<!tpu.dma_semaphore, #tpu.memory_space<semaphore_mem>>)
    %dma_wait3A_90 = arith.constant 0 : i32
    %dma_wait3A_91 = arith.constant 0 : i32
    %dma_wait3A_92 = arith.constant 0 : i32
    %dma_wait3A_93 = tpu.memref_slice %arg25[%dma_wait3A_90, %dma_wait3A_91, %dma_wait3A_92] : memref<2x64x64xf32, #tpu.memory_space<vmem>> -> memref<1x64x64xf32, #tpu.memory_space<vmem>>
    %dma_wait3A_94 = tpu.memref_squeeze %dma_wait3A_93 : memref<1x64x64xf32, #tpu.memory_space<vmem>> -> memref<64x64xf32, #tpu.memory_space<vmem>>
    %dma_wait3A_95 = arith.constant 0 : i32
    %dma_wait3A_96 = tpu.memref_slice %arg10[%mul3A_53, %dma_wait3A_95] : memref<131072x64xf32, #tpu.memory_space<hbm>> -> memref<64x64xf32, #tpu.memory_space<hbm>>
    %dma_wait3A_97 = arith.constant 0 : i32
    %dma_wait3A_98 = tpu.memref_slice %arg10[%mul3A_53, %dma_wait3A_97] : memref<131072x64xf32, #tpu.memory_space<hbm>> -> memref<64x64xf32, #tpu.memory_space<hbm>>
    %dma_wait3A_99 = arith.constant 0 : i32
    %dma_wait3A_100 = arith.constant 0 : i32
    %dma_wait3A_101 = tpu.memref_slice %arg25[%dma_wait3A_90, %dma_wait3A_99, %dma_wait3A_100] : memref<2x64x64xf32, #tpu.memory_space<vmem>> -> memref<1x64x64xf32, #tpu.memory_space<vmem>>
    %dma_wait3A_102 = tpu.memref_squeeze %dma_wait3A_101 : memref<1x64x64xf32, #tpu.memory_space<vmem>> -> memref<64x64xf32, #tpu.memory_space<vmem>>
    tpu.wait_dma2 semaphore(%arg27 : memref<!tpu.dma_semaphore, #tpu.memory_space<semaphore_mem>>) src(%dma_wait3A_102 : memref<64x64xf32, #tpu.memory_space<vmem>>) dst(%dma_wait3A_98 : memref<64x64xf32, #tpu.memory_space<hbm>>)
    %dma_wait3A_103 = arith.constant 0 : i32
    %dma_wait3A_104 = arith.constant 0 : i32
    %dma_wait3A_105 = arith.constant 0 : i32
    %dma_wait3A_106 = tpu.memref_slice %arg25[%dma_wait3A_103, %dma_wait3A_104, %dma_wait3A_105] : memref<2x64x64xf32, #tpu.memory_space<vmem>> -> memref<1x64x64xf32, #tpu.memory_space<vmem>>
    %dma_wait3A_107 = tpu.memref_squeeze %dma_wait3A_106 : memref<1x64x64xf32, #tpu.memory_space<vmem>> -> memref<64x64xf32, #tpu.memory_space<vmem>>
    %dma_wait3A_108 = arith.constant 0 : i32
    %dma_wait3A_109 = tpu.memref_slice %arg10[%mul3A_53, %dma_wait3A_108] : memref<131072x64xf32, #tpu.memory_space<hbm>> -> memref<64x64xf32, #tpu.memory_space<hbm>>
    %dma_wait3A_110 = arith.constant 0 : i32
    %dma_wait3A_111 = tpu.memref_slice %arg10[%mul3A_53, %dma_wait3A_110] : memref<131072x64xf32, #tpu.memory_space<hbm>> -> memref<64x64xf32, #tpu.memory_space<hbm>>
    %dma_wait3A_112 = arith.constant 0 : i32
    %dma_wait3A_113 = arith.constant 0 : i32
    %dma_wait3A_114 = tpu.memref_slice %arg25[%dma_wait3A_103, %dma_wait3A_112, %dma_wait3A_113] : memref<2x64x64xf32, #tpu.memory_space<vmem>> -> memref<1x64x64xf32, #tpu.memory_space<vmem>>
    %dma_wait3A_115 = tpu.memref_squeeze %dma_wait3A_114 : memref<1x64x64xf32, #tpu.memory_space<vmem>> -> memref<64x64xf32, #tpu.memory_space<vmem>>
    tpu.wait_dma2 semaphore(%arg27 : memref<!tpu.dma_semaphore, #tpu.memory_space<semaphore_mem>>) src(%dma_wait3A_115 : memref<64x64xf32, #tpu.memory_space<vmem>>) dst(%dma_wait3A_111 : memref<64x64xf32, #tpu.memory_space<hbm>>)
    %run_scoped3A = arith.constant 0 : i32
    "tpu.region"() ({
      %run_scoped3A_118 = tpu.sem_alloc : memref<!tpu.dma_semaphore, #tpu.memory_space<semaphore_mem>>
      %dma_start3A_119 = arith.constant 0 : i32
      %dma_start3A_120 = tpu.memref_slice %arg9[%select_n3A, %run_scoped3A, %mul3A_32, %dma_start3A_119] : memref<4x3x1024x32xf32, #tpu.memory_space<hbm>> -> memref<1x1x128x32xf32, #tpu.memory_space<hbm>>
      %dma_start3A_121 = tpu.memref_squeeze %dma_start3A_120 : memref<1x1x128x32xf32, #tpu.memory_space<hbm>> -> memref<128x32xf32, #tpu.memory_space<hbm>>
      %dma_start3A_122 = arith.constant 0 : i32
      %dma_start3A_123 = tpu.memref_slice %arg9[%select_n3A, %run_scoped3A, %mul3A_32, %dma_start3A_122] : memref<4x3x1024x32xf32, #tpu.memory_space<hbm>> -> memref<1x1x128x32xf32, #tpu.memory_space<hbm>>
      %dma_start3A_124 = tpu.memref_squeeze %dma_start3A_123 : memref<1x1x128x32xf32, #tpu.memory_space<hbm>> -> memref<128x32xf32, #tpu.memory_space<hbm>>
      tpu.enqueue_dma source(%arg22 : memref<128x32xf32, #tpu.memory_space<vmem>>) target(%dma_start3A_124 : memref<128x32xf32, #tpu.memory_space<hbm>>) target_semaphore(%run_scoped3A_118 : memref<!tpu.dma_semaphore, #tpu.memory_space<semaphore_mem>>)
      %dma_wait3A_125 = arith.constant 0 : i32
      %dma_wait3A_126 = tpu.memref_slice %arg9[%select_n3A, %run_scoped3A, %mul3A_32, %dma_wait3A_125] : memref<4x3x1024x32xf32, #tpu.memory_space<hbm>> -> memref<1x1x128x32xf32, #tpu.memory_space<hbm>>
      %dma_wait3A_127 = tpu.memref_squeeze %dma_wait3A_126 : memref<1x1x128x32xf32, #tpu.memory_space<hbm>> -> memref<128x32xf32, #tpu.memory_space<hbm>>
      %dma_wait3A_128 = arith.constant 0 : i32
      %dma_wait3A_129 = tpu.memref_slice %arg9[%select_n3A, %run_scoped3A, %mul3A_32, %dma_wait3A_128] : memref<4x3x1024x32xf32, #tpu.memory_space<hbm>> -> memref<1x1x128x32xf32, #tpu.memory_space<hbm>>
      %dma_wait3A_130 = tpu.memref_squeeze %dma_wait3A_129 : memref<1x1x128x32xf32, #tpu.memory_space<hbm>> -> memref<128x32xf32, #tpu.memory_space<hbm>>
      tpu.wait_dma2 semaphore(%run_scoped3A_118 : memref<!tpu.dma_semaphore, #tpu.memory_space<semaphore_mem>>) src(%arg22 : memref<128x32xf32, #tpu.memory_space<vmem>>) dst(%dma_wait3A_130 : memref<128x32xf32, #tpu.memory_space<hbm>>)
      tpu.yield
    }) : () -> ()
    %run_scoped3A_116 = arith.constant 1 : i32
    "tpu.region"() ({
      %run_scoped3A_118 = tpu.sem_alloc : memref<!tpu.dma_semaphore, #tpu.memory_space<semaphore_mem>>
      %dma_start3A_119 = arith.constant 0 : i32
      %dma_start3A_120 = tpu.memref_slice %arg9[%select_n3A, %run_scoped3A_116, %mul3A_32, %dma_start3A_119] : memref<4x3x1024x32xf32, #tpu.memory_space<hbm>> -> memref<1x1x128x32xf32, #tpu.memory_space<hbm>>
      %dma_start3A_121 = tpu.memref_squeeze %dma_start3A_120 : memref<1x1x128x32xf32, #tpu.memory_space<hbm>> -> memref<128x32xf32, #tpu.memory_space<hbm>>
      %dma_start3A_122 = arith.constant 0 : i32
      %dma_start3A_123 = tpu.memref_slice %arg9[%select_n3A, %run_scoped3A_116, %mul3A_32, %dma_start3A_122] : memref<4x3x1024x32xf32, #tpu.memory_space<hbm>> -> memref<1x1x128x32xf32, #tpu.memory_space<hbm>>
      %dma_start3A_124 = tpu.memref_squeeze %dma_start3A_123 : memref<1x1x128x32xf32, #tpu.memory_space<hbm>> -> memref<128x32xf32, #tpu.memory_space<hbm>>
      tpu.enqueue_dma source(%arg23 : memref<128x32xf32, #tpu.memory_space<vmem>>) target(%dma_start3A_124 : memref<128x32xf32, #tpu.memory_space<hbm>>) target_semaphore(%run_scoped3A_118 : memref<!tpu.dma_semaphore, #tpu.memory_space<semaphore_mem>>)
      %dma_wait3A_125 = arith.constant 0 : i32
      %dma_wait3A_126 = tpu.memref_slice %arg9[%select_n3A, %run_scoped3A_116, %mul3A_32, %dma_wait3A_125] : memref<4x3x1024x32xf32, #tpu.memory_space<hbm>> -> memref<1x1x128x32xf32, #tpu.memory_space<hbm>>
      %dma_wait3A_127 = tpu.memref_squeeze %dma_wait3A_126 : memref<1x1x128x32xf32, #tpu.memory_space<hbm>> -> memref<128x32xf32, #tpu.memory_space<hbm>>
      %dma_wait3A_128 = arith.constant 0 : i32
      %dma_wait3A_129 = tpu.memref_slice %arg9[%select_n3A, %run_scoped3A_116, %mul3A_32, %dma_wait3A_128] : memref<4x3x1024x32xf32, #tpu.memory_space<hbm>> -> memref<1x1x128x32xf32, #tpu.memory_space<hbm>>
      %dma_wait3A_130 = tpu.memref_squeeze %dma_wait3A_129 : memref<1x1x128x32xf32, #tpu.memory_space<hbm>> -> memref<128x32xf32, #tpu.memory_space<hbm>>
      tpu.wait_dma2 semaphore(%run_scoped3A_118 : memref<!tpu.dma_semaphore, #tpu.memory_space<semaphore_mem>>) src(%arg23 : memref<128x32xf32, #tpu.memory_space<vmem>>) dst(%dma_wait3A_130 : memref<128x32xf32, #tpu.memory_space<hbm>>)
      tpu.yield
    }) : () -> ()
    %run_scoped3A_117 = arith.constant 2 : i32
    "tpu.region"() ({
      %run_scoped3A_118 = tpu.sem_alloc : memref<!tpu.dma_semaphore, #tpu.memory_space<semaphore_mem>>
      %dma_start3A_119 = arith.constant 0 : i32
      %dma_start3A_120 = tpu.memref_slice %arg9[%select_n3A, %run_scoped3A_117, %mul3A_32, %dma_start3A_119] : memref<4x3x1024x32xf32, #tpu.memory_space<hbm>> -> memref<1x1x128x32xf32, #tpu.memory_space<hbm>>
      %dma_start3A_121 = tpu.memref_squeeze %dma_start3A_120 : memref<1x1x128x32xf32, #tpu.memory_space<hbm>> -> memref<128x32xf32, #tpu.memory_space<hbm>>
      %dma_start3A_122 = arith.constant 0 : i32
      %dma_start3A_123 = tpu.memref_slice %arg9[%select_n3A, %run_scoped3A_117, %mul3A_32, %dma_start3A_122] : memref<4x3x1024x32xf32, #tpu.memory_space<hbm>> -> memref<1x1x128x32xf32, #tpu.memory_space<hbm>>
      %dma_start3A_124 = tpu.memref_squeeze %dma_start3A_123 : memref<1x1x128x32xf32, #tpu.memory_space<hbm>> -> memref<128x32xf32, #tpu.memory_space<hbm>>
      tpu.enqueue_dma source(%arg24 : memref<128x32xf32, #tpu.memory_space<vmem>>) target(%dma_start3A_124 : memref<128x32xf32, #tpu.memory_space<hbm>>) target_semaphore(%run_scoped3A_118 : memref<!tpu.dma_semaphore, #tpu.memory_space<semaphore_mem>>)
      %dma_wait3A_125 = arith.constant 0 : i32
      %dma_wait3A_126 = tpu.memref_slice %arg9[%select_n3A, %run_scoped3A_117, %mul3A_32, %dma_wait3A_125] : memref<4x3x1024x32xf32, #tpu.memory_space<hbm>> -> memref<1x1x128x32xf32, #tpu.memory_space<hbm>>
      %dma_wait3A_127 = tpu.memref_squeeze %dma_wait3A_126 : memref<1x1x128x32xf32, #tpu.memory_space<hbm>> -> memref<128x32xf32, #tpu.memory_space<hbm>>
      %dma_wait3A_128 = arith.constant 0 : i32
      %dma_wait3A_129 = tpu.memref_slice %arg9[%select_n3A, %run_scoped3A_117, %mul3A_32, %dma_wait3A_128] : memref<4x3x1024x32xf32, #tpu.memory_space<hbm>> -> memref<1x1x128x32xf32, #tpu.memory_space<hbm>>
      %dma_wait3A_130 = tpu.memref_squeeze %dma_wait3A_129 : memref<1x1x128x32xf32, #tpu.memory_space<hbm>> -> memref<128x32xf32, #tpu.memory_space<hbm>>
      tpu.wait_dma2 semaphore(%run_scoped3A_118 : memref<!tpu.dma_semaphore, #tpu.memory_space<semaphore_mem>>) src(%arg24 : memref<128x32xf32, #tpu.memory_space<vmem>>) dst(%dma_wait3A_130 : memref<128x32xf32, #tpu.memory_space<hbm>>)
      tpu.yield
    }) : () -> ()
    return
  }
}

module attributes {stable_mosaic.version = 14 : i64} {
  func.func @body(%arg0: i32, %arg1: i32, %arg2: memref<1x64x512xf32, #tpu.memory_space<vmem>>, %arg3: memref<1x512x64xf32, #tpu.memory_space<vmem>>) attributes {dimension_semantics = [#tpu.dimension_semantics<arbitrary>, #tpu.dimension_semantics<arbitrary>], iteration_bounds = array<i64: 4, 32>, scalar_prefetch = 0 : i64, scratch_operands = 0 : i64, tpu.core_type = #tpu.core_type<tc>, window_params = [{transform_indices = @transform_0, window_bounds = array<i64: 1, 64, 512>}, {transform_indices = @transform_1, window_bounds = array<i64: 1, 512, 64>}]} {
    %get3A = arith.constant 0 : index
    %get3A_0 = arith.constant 0 : index
    %get3A_1 = arith.constant 0 : index
    %get3A_2 = vector.load %arg2[%get3A, %get3A_0, %get3A_1] : memref<1x64x512xf32, #tpu.memory_space<vmem>>, vector<1x64x512xf32>
    %get3A_3 = vector.shape_cast %get3A_2 : vector<1x64x512xf32> to vector<64x512xf32>
    %transpose3A = tpu.transpose %get3A_3, [1, 0] : vector<64x512xf32> -> vector<512x64xf32>
    %swap3A = arith.constant 0 : index
    %swap3A_4 = arith.constant 0 : index
    %swap3A_5 = arith.constant 0 : index
    %swap3A_6 = vector.load %arg3[%swap3A, %swap3A_4, %swap3A_5] : memref<1x512x64xf32, #tpu.memory_space<vmem>>, vector<1x512x64xf32>
    %swap3A_7 = vector.shape_cast %swap3A_6 : vector<1x512x64xf32> to vector<512x64xf32>
    %swap3A_8 = vector.shape_cast %transpose3A : vector<512x64xf32> to vector<1x512x64xf32>
    tpu.vector_store %arg3[%swap3A, %swap3A_4, %swap3A_5], %swap3A_8 {strides = array<i32>} : memref<1x512x64xf32, #tpu.memory_space<vmem>>, vector<1x512x64xf32>,
    return
  }
  func.func @transform_0(%arg0: i32, %arg1: i32) -> (i32, i32, i32) {
    %c0_i32 = arith.constant 0 : i32
    %c0_i32_0 = arith.constant 0 : i32
    return %arg0, %c0_i32, %arg1 : i32, i32, i32
  }
  func.func @transform_1(%arg0: i32, %arg1: i32) -> (i32, i32, i32) {
    %c0_i32 = arith.constant 0 : i32
    %c0_i32_0 = arith.constant 0 : i32
    return %arg0, %arg1, %c0_i32 : i32, i32, i32
  }
}

module attributes {stable_mosaic.version = 14 : i64} {
  func.func @body(%arg0: i32, %arg1: i32, %arg2: memref<4096x64xf32, #tpu.memory_space<vmem>>, %arg3: memref<1x64x32x128xf32, #tpu.memory_space<vmem>>) attributes {dimension_semantics = [#tpu.dimension_semantics<arbitrary>, #tpu.dimension_semantics<arbitrary>], iteration_bounds = array<i64: 4, 8>, scalar_prefetch = 0 : i64, scratch_operands = 0 : i64, tpu.core_type = #tpu.core_type<tc>, window_params = [{transform_indices = @transform_0, window_bounds = array<i64: 4096, 64>}, {transform_indices = @transform_1, window_bounds = array<i64: 1, 64, 32, 128>}]} {
    %get3A = arith.constant 0 : index
    %get3A_0 = arith.constant 0 : index
    %get3A_1 = vector.load %arg2[%get3A, %get3A_0] : memref<4096x64xf32, #tpu.memory_space<vmem>>, vector<4096x64xf32>
    %reshape3A = vector.shape_cast %get3A_1 : vector<4096x64xf32> to vector<128x32x64xf32>
    %slice3A = vector.extract_strided_slice %reshape3A {offsets = [0, 0, 0], sizes = [128, 1, 64], strides = [1, 1, 1]} : vector<128x32x64xf32> to vector<128x1x64xf32>
    %squeeze3A = vector.shape_cast %slice3A : vector<128x1x64xf32> to vector<128x64xf32>
    %transpose3A = tpu.transpose %squeeze3A, [1, 0] : vector<128x64xf32> -> vector<64x128xf32>
    %swap3A = arith.constant 0 : index
    %swap3A_2 = arith.constant 0 : index
    %swap3A_3 = arith.constant 0 : index
    %swap3A_4 = arith.constant 0 : index
    %swap3A_5 = vector.load %arg3[%swap3A, %swap3A_2, %swap3A_3, %swap3A_4] : memref<1x64x32x128xf32, #tpu.memory_space<vmem>>, vector<1x64x1x128xf32>
    %swap3A_6 = vector.shape_cast %swap3A_5 : vector<1x64x1x128xf32> to vector<64x128xf32>
    %swap3A_7 = vector.shape_cast %transpose3A : vector<64x128xf32> to vector<1x64x1x128xf32>
    tpu.vector_store %arg3[%swap3A, %swap3A_2, %swap3A_3, %swap3A_4], %swap3A_7 {strides = array<i32>} : memref<1x64x32x128xf32, #tpu.memory_space<vmem>>, vector<1x64x1x128xf32>,
    %slice3A_8 = vector.extract_strided_slice %reshape3A {offsets = [0, 1, 0], sizes = [128, 1, 64], strides = [1, 1, 1]} : vector<128x32x64xf32> to vector<128x1x64xf32>
    %squeeze3A_9 = vector.shape_cast %slice3A_8 : vector<128x1x64xf32> to vector<128x64xf32>
    %transpose3A_10 = tpu.transpose %squeeze3A_9, [1, 0] : vector<128x64xf32> -> vector<64x128xf32>
    %swap3A_11 = arith.constant 0 : index
    %swap3A_12 = arith.constant 0 : index
    %swap3A_13 = arith.constant 1 : index
    %swap3A_14 = arith.constant 0 : index
    %swap3A_15 = vector.load %arg3[%swap3A_11, %swap3A_12, %swap3A_13, %swap3A_14] : memref<1x64x32x128xf32, #tpu.memory_space<vmem>>, vector<1x64x1x128xf32>
    %swap3A_16 = vector.shape_cast %swap3A_15 : vector<1x64x1x128xf32> to vector<64x128xf32>
    %swap3A_17 = vector.shape_cast %transpose3A_10 : vector<64x128xf32> to vector<1x64x1x128xf32>
    tpu.vector_store %arg3[%swap3A_11, %swap3A_12, %swap3A_13, %swap3A_14], %swap3A_17 {strides = array<i32>} : memref<1x64x32x128xf32, #tpu.memory_space<vmem>>, vector<1x64x1x128xf32>,
    %slice3A_18 = vector.extract_strided_slice %reshape3A {offsets = [0, 2, 0], sizes = [128, 1, 64], strides = [1, 1, 1]} : vector<128x32x64xf32> to vector<128x1x64xf32>
    %squeeze3A_19 = vector.shape_cast %slice3A_18 : vector<128x1x64xf32> to vector<128x64xf32>
    %transpose3A_20 = tpu.transpose %squeeze3A_19, [1, 0] : vector<128x64xf32> -> vector<64x128xf32>
    %swap3A_21 = arith.constant 0 : index
    %swap3A_22 = arith.constant 0 : index
    %swap3A_23 = arith.constant 2 : index
    %swap3A_24 = arith.constant 0 : index
    %swap3A_25 = vector.load %arg3[%swap3A_21, %swap3A_22, %swap3A_23, %swap3A_24] : memref<1x64x32x128xf32, #tpu.memory_space<vmem>>, vector<1x64x1x128xf32>
    %swap3A_26 = vector.shape_cast %swap3A_25 : vector<1x64x1x128xf32> to vector<64x128xf32>
    %swap3A_27 = vector.shape_cast %transpose3A_20 : vector<64x128xf32> to vector<1x64x1x128xf32>
    tpu.vector_store %arg3[%swap3A_21, %swap3A_22, %swap3A_23, %swap3A_24], %swap3A_27 {strides = array<i32>} : memref<1x64x32x128xf32, #tpu.memory_space<vmem>>, vector<1x64x1x128xf32>,
    %slice3A_28 = vector.extract_strided_slice %reshape3A {offsets = [0, 3, 0], sizes = [128, 1, 64], strides = [1, 1, 1]} : vector<128x32x64xf32> to vector<128x1x64xf32>
    %squeeze3A_29 = vector.shape_cast %slice3A_28 : vector<128x1x64xf32> to vector<128x64xf32>
    %transpose3A_30 = tpu.transpose %squeeze3A_29, [1, 0] : vector<128x64xf32> -> vector<64x128xf32>
    %swap3A_31 = arith.constant 0 : index
    %swap3A_32 = arith.constant 0 : index
    %swap3A_33 = arith.constant 3 : index
    %swap3A_34 = arith.constant 0 : index
    %swap3A_35 = vector.load %arg3[%swap3A_31, %swap3A_32, %swap3A_33, %swap3A_34] : memref<1x64x32x128xf32, #tpu.memory_space<vmem>>, vector<1x64x1x128xf32>
    %swap3A_36 = vector.shape_cast %swap3A_35 : vector<1x64x1x128xf32> to vector<64x128xf32>
    %swap3A_37 = vector.shape_cast %transpose3A_30 : vector<64x128xf32> to vector<1x64x1x128xf32>
    tpu.vector_store %arg3[%swap3A_31, %swap3A_32, %swap3A_33, %swap3A_34], %swap3A_37 {strides = array<i32>} : memref<1x64x32x128xf32, #tpu.memory_space<vmem>>, vector<1x64x1x128xf32>,
    %slice3A_38 = vector.extract_strided_slice %reshape3A {offsets = [0, 4, 0], sizes = [128, 1, 64], strides = [1, 1, 1]} : vector<128x32x64xf32> to vector<128x1x64xf32>
    %squeeze3A_39 = vector.shape_cast %slice3A_38 : vector<128x1x64xf32> to vector<128x64xf32>
    %transpose3A_40 = tpu.transpose %squeeze3A_39, [1, 0] : vector<128x64xf32> -> vector<64x128xf32>
    %swap3A_41 = arith.constant 0 : index
    %swap3A_42 = arith.constant 0 : index
    %swap3A_43 = arith.constant 4 : index
    %swap3A_44 = arith.constant 0 : index
    %swap3A_45 = vector.load %arg3[%swap3A_41, %swap3A_42, %swap3A_43, %swap3A_44] : memref<1x64x32x128xf32, #tpu.memory_space<vmem>>, vector<1x64x1x128xf32>
    %swap3A_46 = vector.shape_cast %swap3A_45 : vector<1x64x1x128xf32> to vector<64x128xf32>
    %swap3A_47 = vector.shape_cast %transpose3A_40 : vector<64x128xf32> to vector<1x64x1x128xf32>
    tpu.vector_store %arg3[%swap3A_41, %swap3A_42, %swap3A_43, %swap3A_44], %swap3A_47 {strides = array<i32>} : memref<1x64x32x128xf32, #tpu.memory_space<vmem>>, vector<1x64x1x128xf32>,
    %slice3A_48 = vector.extract_strided_slice %reshape3A {offsets = [0, 5, 0], sizes = [128, 1, 64], strides = [1, 1, 1]} : vector<128x32x64xf32> to vector<128x1x64xf32>
    %squeeze3A_49 = vector.shape_cast %slice3A_48 : vector<128x1x64xf32> to vector<128x64xf32>
    %transpose3A_50 = tpu.transpose %squeeze3A_49, [1, 0] : vector<128x64xf32> -> vector<64x128xf32>
    %swap3A_51 = arith.constant 0 : index
    %swap3A_52 = arith.constant 0 : index
    %swap3A_53 = arith.constant 5 : index
    %swap3A_54 = arith.constant 0 : index
    %swap3A_55 = vector.load %arg3[%swap3A_51, %swap3A_52, %swap3A_53, %swap3A_54] : memref<1x64x32x128xf32, #tpu.memory_space<vmem>>, vector<1x64x1x128xf32>
    %swap3A_56 = vector.shape_cast %swap3A_55 : vector<1x64x1x128xf32> to vector<64x128xf32>
    %swap3A_57 = vector.shape_cast %transpose3A_50 : vector<64x128xf32> to vector<1x64x1x128xf32>
    tpu.vector_store %arg3[%swap3A_51, %swap3A_52, %swap3A_53, %swap3A_54], %swap3A_57 {strides = array<i32>} : memref<1x64x32x128xf32, #tpu.memory_space<vmem>>, vector<1x64x1x128xf32>,
    %slice3A_58 = vector.extract_strided_slice %reshape3A {offsets = [0, 6, 0], sizes = [128, 1, 64], strides = [1, 1, 1]} : vector<128x32x64xf32> to vector<128x1x64xf32>
    %squeeze3A_59 = vector.shape_cast %slice3A_58 : vector<128x1x64xf32> to vector<128x64xf32>
    %transpose3A_60 = tpu.transpose %squeeze3A_59, [1, 0] : vector<128x64xf32> -> vector<64x128xf32>
    %swap3A_61 = arith.constant 0 : index
    %swap3A_62 = arith.constant 0 : index
    %swap3A_63 = arith.constant 6 : index
    %swap3A_64 = arith.constant 0 : index
    %swap3A_65 = vector.load %arg3[%swap3A_61, %swap3A_62, %swap3A_63, %swap3A_64] : memref<1x64x32x128xf32, #tpu.memory_space<vmem>>, vector<1x64x1x128xf32>
    %swap3A_66 = vector.shape_cast %swap3A_65 : vector<1x64x1x128xf32> to vector<64x128xf32>
    %swap3A_67 = vector.shape_cast %transpose3A_60 : vector<64x128xf32> to vector<1x64x1x128xf32>
    tpu.vector_store %arg3[%swap3A_61, %swap3A_62, %swap3A_63, %swap3A_64], %swap3A_67 {strides = array<i32>} : memref<1x64x32x128xf32, #tpu.memory_space<vmem>>, vector<1x64x1x128xf32>,
    %slice3A_68 = vector.extract_strided_slice %reshape3A {offsets = [0, 7, 0], sizes = [128, 1, 64], strides = [1, 1, 1]} : vector<128x32x64xf32> to vector<128x1x64xf32>
    %squeeze3A_69 = vector.shape_cast %slice3A_68 : vector<128x1x64xf32> to vector<128x64xf32>
    %transpose3A_70 = tpu.transpose %squeeze3A_69, [1, 0] : vector<128x64xf32> -> vector<64x128xf32>
    %swap3A_71 = arith.constant 0 : index
    %swap3A_72 = arith.constant 0 : index
    %swap3A_73 = arith.constant 7 : index
    %swap3A_74 = arith.constant 0 : index
    %swap3A_75 = vector.load %arg3[%swap3A_71, %swap3A_72, %swap3A_73, %swap3A_74] : memref<1x64x32x128xf32, #tpu.memory_space<vmem>>, vector<1x64x1x128xf32>
    %swap3A_76 = vector.shape_cast %swap3A_75 : vector<1x64x1x128xf32> to vector<64x128xf32>
    %swap3A_77 = vector.shape_cast %transpose3A_70 : vector<64x128xf32> to vector<1x64x1x128xf32>
    tpu.vector_store %arg3[%swap3A_71, %swap3A_72, %swap3A_73, %swap3A_74], %swap3A_77 {strides = array<i32>} : memref<1x64x32x128xf32, #tpu.memory_space<vmem>>, vector<1x64x1x128xf32>,
    %slice3A_78 = vector.extract_strided_slice %reshape3A {offsets = [0, 8, 0], sizes = [128, 1, 64], strides = [1, 1, 1]} : vector<128x32x64xf32> to vector<128x1x64xf32>
    %squeeze3A_79 = vector.shape_cast %slice3A_78 : vector<128x1x64xf32> to vector<128x64xf32>
    %transpose3A_80 = tpu.transpose %squeeze3A_79, [1, 0] : vector<128x64xf32> -> vector<64x128xf32>
    %swap3A_81 = arith.constant 0 : index
    %swap3A_82 = arith.constant 0 : index
    %swap3A_83 = arith.constant 8 : index
    %swap3A_84 = arith.constant 0 : index
    %swap3A_85 = vector.load %arg3[%swap3A_81, %swap3A_82, %swap3A_83, %swap3A_84] : memref<1x64x32x128xf32, #tpu.memory_space<vmem>>, vector<1x64x1x128xf32>
    %swap3A_86 = vector.shape_cast %swap3A_85 : vector<1x64x1x128xf32> to vector<64x128xf32>
    %swap3A_87 = vector.shape_cast %transpose3A_80 : vector<64x128xf32> to vector<1x64x1x128xf32>
    tpu.vector_store %arg3[%swap3A_81, %swap3A_82, %swap3A_83, %swap3A_84], %swap3A_87 {strides = array<i32>} : memref<1x64x32x128xf32, #tpu.memory_space<vmem>>, vector<1x64x1x128xf32>,
    %slice3A_88 = vector.extract_strided_slice %reshape3A {offsets = [0, 9, 0], sizes = [128, 1, 64], strides = [1, 1, 1]} : vector<128x32x64xf32> to vector<128x1x64xf32>
    %squeeze3A_89 = vector.shape_cast %slice3A_88 : vector<128x1x64xf32> to vector<128x64xf32>
    %transpose3A_90 = tpu.transpose %squeeze3A_89, [1, 0] : vector<128x64xf32> -> vector<64x128xf32>
    %swap3A_91 = arith.constant 0 : index
    %swap3A_92 = arith.constant 0 : index
    %swap3A_93 = arith.constant 9 : index
    %swap3A_94 = arith.constant 0 : index
    %swap3A_95 = vector.load %arg3[%swap3A_91, %swap3A_92, %swap3A_93, %swap3A_94] : memref<1x64x32x128xf32, #tpu.memory_space<vmem>>, vector<1x64x1x128xf32>
    %swap3A_96 = vector.shape_cast %swap3A_95 : vector<1x64x1x128xf32> to vector<64x128xf32>
    %swap3A_97 = vector.shape_cast %transpose3A_90 : vector<64x128xf32> to vector<1x64x1x128xf32>
    tpu.vector_store %arg3[%swap3A_91, %swap3A_92, %swap3A_93, %swap3A_94], %swap3A_97 {strides = array<i32>} : memref<1x64x32x128xf32, #tpu.memory_space<vmem>>, vector<1x64x1x128xf32>,
    %slice3A_98 = vector.extract_strided_slice %reshape3A {offsets = [0, 10, 0], sizes = [128, 1, 64], strides = [1, 1, 1]} : vector<128x32x64xf32> to vector<128x1x64xf32>
    %squeeze3A_99 = vector.shape_cast %slice3A_98 : vector<128x1x64xf32> to vector<128x64xf32>
    %transpose3A_100 = tpu.transpose %squeeze3A_99, [1, 0] : vector<128x64xf32> -> vector<64x128xf32>
    %swap3A_101 = arith.constant 0 : index
    %swap3A_102 = arith.constant 0 : index
    %swap3A_103 = arith.constant 10 : index
    %swap3A_104 = arith.constant 0 : index
    %swap3A_105 = vector.load %arg3[%swap3A_101, %swap3A_102, %swap3A_103, %swap3A_104] : memref<1x64x32x128xf32, #tpu.memory_space<vmem>>, vector<1x64x1x128xf32>
    %swap3A_106 = vector.shape_cast %swap3A_105 : vector<1x64x1x128xf32> to vector<64x128xf32>
    %swap3A_107 = vector.shape_cast %transpose3A_100 : vector<64x128xf32> to vector<1x64x1x128xf32>
    tpu.vector_store %arg3[%swap3A_101, %swap3A_102, %swap3A_103, %swap3A_104], %swap3A_107 {strides = array<i32>} : memref<1x64x32x128xf32, #tpu.memory_space<vmem>>, vector<1x64x1x128xf32>,
    %slice3A_108 = vector.extract_strided_slice %reshape3A {offsets = [0, 11, 0], sizes = [128, 1, 64], strides = [1, 1, 1]} : vector<128x32x64xf32> to vector<128x1x64xf32>
    %squeeze3A_109 = vector.shape_cast %slice3A_108 : vector<128x1x64xf32> to vector<128x64xf32>
    %transpose3A_110 = tpu.transpose %squeeze3A_109, [1, 0] : vector<128x64xf32> -> vector<64x128xf32>
    %swap3A_111 = arith.constant 0 : index
    %swap3A_112 = arith.constant 0 : index
    %swap3A_113 = arith.constant 11 : index
    %swap3A_114 = arith.constant 0 : index
    %swap3A_115 = vector.load %arg3[%swap3A_111, %swap3A_112, %swap3A_113, %swap3A_114] : memref<1x64x32x128xf32, #tpu.memory_space<vmem>>, vector<1x64x1x128xf32>
    %swap3A_116 = vector.shape_cast %swap3A_115 : vector<1x64x1x128xf32> to vector<64x128xf32>
    %swap3A_117 = vector.shape_cast %transpose3A_110 : vector<64x128xf32> to vector<1x64x1x128xf32>
    tpu.vector_store %arg3[%swap3A_111, %swap3A_112, %swap3A_113, %swap3A_114], %swap3A_117 {strides = array<i32>} : memref<1x64x32x128xf32, #tpu.memory_space<vmem>>, vector<1x64x1x128xf32>,
    %slice3A_118 = vector.extract_strided_slice %reshape3A {offsets = [0, 12, 0], sizes = [128, 1, 64], strides = [1, 1, 1]} : vector<128x32x64xf32> to vector<128x1x64xf32>
    %squeeze3A_119 = vector.shape_cast %slice3A_118 : vector<128x1x64xf32> to vector<128x64xf32>
    %transpose3A_120 = tpu.transpose %squeeze3A_119, [1, 0] : vector<128x64xf32> -> vector<64x128xf32>
    %swap3A_121 = arith.constant 0 : index
    %swap3A_122 = arith.constant 0 : index
    %swap3A_123 = arith.constant 12 : index
    %swap3A_124 = arith.constant 0 : index
    %swap3A_125 = vector.load %arg3[%swap3A_121, %swap3A_122, %swap3A_123, %swap3A_124] : memref<1x64x32x128xf32, #tpu.memory_space<vmem>>, vector<1x64x1x128xf32>
    %swap3A_126 = vector.shape_cast %swap3A_125 : vector<1x64x1x128xf32> to vector<64x128xf32>
    %swap3A_127 = vector.shape_cast %transpose3A_120 : vector<64x128xf32> to vector<1x64x1x128xf32>
    tpu.vector_store %arg3[%swap3A_121, %swap3A_122, %swap3A_123, %swap3A_124], %swap3A_127 {strides = array<i32>} : memref<1x64x32x128xf32, #tpu.memory_space<vmem>>, vector<1x64x1x128xf32>,
    %slice3A_128 = vector.extract_strided_slice %reshape3A {offsets = [0, 13, 0], sizes = [128, 1, 64], strides = [1, 1, 1]} : vector<128x32x64xf32> to vector<128x1x64xf32>
    %squeeze3A_129 = vector.shape_cast %slice3A_128 : vector<128x1x64xf32> to vector<128x64xf32>
    %transpose3A_130 = tpu.transpose %squeeze3A_129, [1, 0] : vector<128x64xf32> -> vector<64x128xf32>
    %swap3A_131 = arith.constant 0 : index
    %swap3A_132 = arith.constant 0 : index
    %swap3A_133 = arith.constant 13 : index
    %swap3A_134 = arith.constant 0 : index
    %swap3A_135 = vector.load %arg3[%swap3A_131, %swap3A_132, %swap3A_133, %swap3A_134] : memref<1x64x32x128xf32, #tpu.memory_space<vmem>>, vector<1x64x1x128xf32>
    %swap3A_136 = vector.shape_cast %swap3A_135 : vector<1x64x1x128xf32> to vector<64x128xf32>
    %swap3A_137 = vector.shape_cast %transpose3A_130 : vector<64x128xf32> to vector<1x64x1x128xf32>
    tpu.vector_store %arg3[%swap3A_131, %swap3A_132, %swap3A_133, %swap3A_134], %swap3A_137 {strides = array<i32>} : memref<1x64x32x128xf32, #tpu.memory_space<vmem>>, vector<1x64x1x128xf32>,
    %slice3A_138 = vector.extract_strided_slice %reshape3A {offsets = [0, 14, 0], sizes = [128, 1, 64], strides = [1, 1, 1]} : vector<128x32x64xf32> to vector<128x1x64xf32>
    %squeeze3A_139 = vector.shape_cast %slice3A_138 : vector<128x1x64xf32> to vector<128x64xf32>
    %transpose3A_140 = tpu.transpose %squeeze3A_139, [1, 0] : vector<128x64xf32> -> vector<64x128xf32>
    %swap3A_141 = arith.constant 0 : index
    %swap3A_142 = arith.constant 0 : index
    %swap3A_143 = arith.constant 14 : index
    %swap3A_144 = arith.constant 0 : index
    %swap3A_145 = vector.load %arg3[%swap3A_141, %swap3A_142, %swap3A_143, %swap3A_144] : memref<1x64x32x128xf32, #tpu.memory_space<vmem>>, vector<1x64x1x128xf32>
    %swap3A_146 = vector.shape_cast %swap3A_145 : vector<1x64x1x128xf32> to vector<64x128xf32>
    %swap3A_147 = vector.shape_cast %transpose3A_140 : vector<64x128xf32> to vector<1x64x1x128xf32>
    tpu.vector_store %arg3[%swap3A_141, %swap3A_142, %swap3A_143, %swap3A_144], %swap3A_147 {strides = array<i32>} : memref<1x64x32x128xf32, #tpu.memory_space<vmem>>, vector<1x64x1x128xf32>,
    %slice3A_148 = vector.extract_strided_slice %reshape3A {offsets = [0, 15, 0], sizes = [128, 1, 64], strides = [1, 1, 1]} : vector<128x32x64xf32> to vector<128x1x64xf32>
    %squeeze3A_149 = vector.shape_cast %slice3A_148 : vector<128x1x64xf32> to vector<128x64xf32>
    %transpose3A_150 = tpu.transpose %squeeze3A_149, [1, 0] : vector<128x64xf32> -> vector<64x128xf32>
    %swap3A_151 = arith.constant 0 : index
    %swap3A_152 = arith.constant 0 : index
    %swap3A_153 = arith.constant 15 : index
    %swap3A_154 = arith.constant 0 : index
    %swap3A_155 = vector.load %arg3[%swap3A_151, %swap3A_152, %swap3A_153, %swap3A_154] : memref<1x64x32x128xf32, #tpu.memory_space<vmem>>, vector<1x64x1x128xf32>
    %swap3A_156 = vector.shape_cast %swap3A_155 : vector<1x64x1x128xf32> to vector<64x128xf32>
    %swap3A_157 = vector.shape_cast %transpose3A_150 : vector<64x128xf32> to vector<1x64x1x128xf32>
    tpu.vector_store %arg3[%swap3A_151, %swap3A_152, %swap3A_153, %swap3A_154], %swap3A_157 {strides = array<i32>} : memref<1x64x32x128xf32, #tpu.memory_space<vmem>>, vector<1x64x1x128xf32>,
    %slice3A_158 = vector.extract_strided_slice %reshape3A {offsets = [0, 16, 0], sizes = [128, 1, 64], strides = [1, 1, 1]} : vector<128x32x64xf32> to vector<128x1x64xf32>
    %squeeze3A_159 = vector.shape_cast %slice3A_158 : vector<128x1x64xf32> to vector<128x64xf32>
    %transpose3A_160 = tpu.transpose %squeeze3A_159, [1, 0] : vector<128x64xf32> -> vector<64x128xf32>
    %swap3A_161 = arith.constant 0 : index
    %swap3A_162 = arith.constant 0 : index
    %swap3A_163 = arith.constant 16 : index
    %swap3A_164 = arith.constant 0 : index
    %swap3A_165 = vector.load %arg3[%swap3A_161, %swap3A_162, %swap3A_163, %swap3A_164] : memref<1x64x32x128xf32, #tpu.memory_space<vmem>>, vector<1x64x1x128xf32>
    %swap3A_166 = vector.shape_cast %swap3A_165 : vector<1x64x1x128xf32> to vector<64x128xf32>
    %swap3A_167 = vector.shape_cast %transpose3A_160 : vector<64x128xf32> to vector<1x64x1x128xf32>
    tpu.vector_store %arg3[%swap3A_161, %swap3A_162, %swap3A_163, %swap3A_164], %swap3A_167 {strides = array<i32>} : memref<1x64x32x128xf32, #tpu.memory_space<vmem>>, vector<1x64x1x128xf32>,
    %slice3A_168 = vector.extract_strided_slice %reshape3A {offsets = [0, 17, 0], sizes = [128, 1, 64], strides = [1, 1, 1]} : vector<128x32x64xf32> to vector<128x1x64xf32>
    %squeeze3A_169 = vector.shape_cast %slice3A_168 : vector<128x1x64xf32> to vector<128x64xf32>
    %transpose3A_170 = tpu.transpose %squeeze3A_169, [1, 0] : vector<128x64xf32> -> vector<64x128xf32>
    %swap3A_171 = arith.constant 0 : index
    %swap3A_172 = arith.constant 0 : index
    %swap3A_173 = arith.constant 17 : index
    %swap3A_174 = arith.constant 0 : index
    %swap3A_175 = vector.load %arg3[%swap3A_171, %swap3A_172, %swap3A_173, %swap3A_174] : memref<1x64x32x128xf32, #tpu.memory_space<vmem>>, vector<1x64x1x128xf32>
    %swap3A_176 = vector.shape_cast %swap3A_175 : vector<1x64x1x128xf32> to vector<64x128xf32>
    %swap3A_177 = vector.shape_cast %transpose3A_170 : vector<64x128xf32> to vector<1x64x1x128xf32>
    tpu.vector_store %arg3[%swap3A_171, %swap3A_172, %swap3A_173, %swap3A_174], %swap3A_177 {strides = array<i32>} : memref<1x64x32x128xf32, #tpu.memory_space<vmem>>, vector<1x64x1x128xf32>,
    %slice3A_178 = vector.extract_strided_slice %reshape3A {offsets = [0, 18, 0], sizes = [128, 1, 64], strides = [1, 1, 1]} : vector<128x32x64xf32> to vector<128x1x64xf32>
    %squeeze3A_179 = vector.shape_cast %slice3A_178 : vector<128x1x64xf32> to vector<128x64xf32>
    %transpose3A_180 = tpu.transpose %squeeze3A_179, [1, 0] : vector<128x64xf32> -> vector<64x128xf32>
    %swap3A_181 = arith.constant 0 : index
    %swap3A_182 = arith.constant 0 : index
    %swap3A_183 = arith.constant 18 : index
    %swap3A_184 = arith.constant 0 : index
    %swap3A_185 = vector.load %arg3[%swap3A_181, %swap3A_182, %swap3A_183, %swap3A_184] : memref<1x64x32x128xf32, #tpu.memory_space<vmem>>, vector<1x64x1x128xf32>
    %swap3A_186 = vector.shape_cast %swap3A_185 : vector<1x64x1x128xf32> to vector<64x128xf32>
    %swap3A_187 = vector.shape_cast %transpose3A_180 : vector<64x128xf32> to vector<1x64x1x128xf32>
    tpu.vector_store %arg3[%swap3A_181, %swap3A_182, %swap3A_183, %swap3A_184], %swap3A_187 {strides = array<i32>} : memref<1x64x32x128xf32, #tpu.memory_space<vmem>>, vector<1x64x1x128xf32>,
    %slice3A_188 = vector.extract_strided_slice %reshape3A {offsets = [0, 19, 0], sizes = [128, 1, 64], strides = [1, 1, 1]} : vector<128x32x64xf32> to vector<128x1x64xf32>
    %squeeze3A_189 = vector.shape_cast %slice3A_188 : vector<128x1x64xf32> to vector<128x64xf32>
    %transpose3A_190 = tpu.transpose %squeeze3A_189, [1, 0] : vector<128x64xf32> -> vector<64x128xf32>
    %swap3A_191 = arith.constant 0 : index
    %swap3A_192 = arith.constant 0 : index
    %swap3A_193 = arith.constant 19 : index
    %swap3A_194 = arith.constant 0 : index
    %swap3A_195 = vector.load %arg3[%swap3A_191, %swap3A_192, %swap3A_193, %swap3A_194] : memref<1x64x32x128xf32, #tpu.memory_space<vmem>>, vector<1x64x1x128xf32>
    %swap3A_196 = vector.shape_cast %swap3A_195 : vector<1x64x1x128xf32> to vector<64x128xf32>
    %swap3A_197 = vector.shape_cast %transpose3A_190 : vector<64x128xf32> to vector<1x64x1x128xf32>
    tpu.vector_store %arg3[%swap3A_191, %swap3A_192, %swap3A_193, %swap3A_194], %swap3A_197 {strides = array<i32>} : memref<1x64x32x128xf32, #tpu.memory_space<vmem>>, vector<1x64x1x128xf32>,
    %slice3A_198 = vector.extract_strided_slice %reshape3A {offsets = [0, 20, 0], sizes = [128, 1, 64], strides = [1, 1, 1]} : vector<128x32x64xf32> to vector<128x1x64xf32>
    %squeeze3A_199 = vector.shape_cast %slice3A_198 : vector<128x1x64xf32> to vector<128x64xf32>
    %transpose3A_200 = tpu.transpose %squeeze3A_199, [1, 0] : vector<128x64xf32> -> vector<64x128xf32>
    %swap3A_201 = arith.constant 0 : index
    %swap3A_202 = arith.constant 0 : index
    %swap3A_203 = arith.constant 20 : index
    %swap3A_204 = arith.constant 0 : index
    %swap3A_205 = vector.load %arg3[%swap3A_201, %swap3A_202, %swap3A_203, %swap3A_204] : memref<1x64x32x128xf32, #tpu.memory_space<vmem>>, vector<1x64x1x128xf32>
    %swap3A_206 = vector.shape_cast %swap3A_205 : vector<1x64x1x128xf32> to vector<64x128xf32>
    %swap3A_207 = vector.shape_cast %transpose3A_200 : vector<64x128xf32> to vector<1x64x1x128xf32>
    tpu.vector_store %arg3[%swap3A_201, %swap3A_202, %swap3A_203, %swap3A_204], %swap3A_207 {strides = array<i32>} : memref<1x64x32x128xf32, #tpu.memory_space<vmem>>, vector<1x64x1x128xf32>,
    %slice3A_208 = vector.extract_strided_slice %reshape3A {offsets = [0, 21, 0], sizes = [128, 1, 64], strides = [1, 1, 1]} : vector<128x32x64xf32> to vector<128x1x64xf32>
    %squeeze3A_209 = vector.shape_cast %slice3A_208 : vector<128x1x64xf32> to vector<128x64xf32>
    %transpose3A_210 = tpu.transpose %squeeze3A_209, [1, 0] : vector<128x64xf32> -> vector<64x128xf32>
    %swap3A_211 = arith.constant 0 : index
    %swap3A_212 = arith.constant 0 : index
    %swap3A_213 = arith.constant 21 : index
    %swap3A_214 = arith.constant 0 : index
    %swap3A_215 = vector.load %arg3[%swap3A_211, %swap3A_212, %swap3A_213, %swap3A_214] : memref<1x64x32x128xf32, #tpu.memory_space<vmem>>, vector<1x64x1x128xf32>
    %swap3A_216 = vector.shape_cast %swap3A_215 : vector<1x64x1x128xf32> to vector<64x128xf32>
    %swap3A_217 = vector.shape_cast %transpose3A_210 : vector<64x128xf32> to vector<1x64x1x128xf32>
    tpu.vector_store %arg3[%swap3A_211, %swap3A_212, %swap3A_213, %swap3A_214], %swap3A_217 {strides = array<i32>} : memref<1x64x32x128xf32, #tpu.memory_space<vmem>>, vector<1x64x1x128xf32>,
    %slice3A_218 = vector.extract_strided_slice %reshape3A {offsets = [0, 22, 0], sizes = [128, 1, 64], strides = [1, 1, 1]} : vector<128x32x64xf32> to vector<128x1x64xf32>
    %squeeze3A_219 = vector.shape_cast %slice3A_218 : vector<128x1x64xf32> to vector<128x64xf32>
    %transpose3A_220 = tpu.transpose %squeeze3A_219, [1, 0] : vector<128x64xf32> -> vector<64x128xf32>
    %swap3A_221 = arith.constant 0 : index
    %swap3A_222 = arith.constant 0 : index
    %swap3A_223 = arith.constant 22 : index
    %swap3A_224 = arith.constant 0 : index
    %swap3A_225 = vector.load %arg3[%swap3A_221, %swap3A_222, %swap3A_223, %swap3A_224] : memref<1x64x32x128xf32, #tpu.memory_space<vmem>>, vector<1x64x1x128xf32>
    %swap3A_226 = vector.shape_cast %swap3A_225 : vector<1x64x1x128xf32> to vector<64x128xf32>
    %swap3A_227 = vector.shape_cast %transpose3A_220 : vector<64x128xf32> to vector<1x64x1x128xf32>
    tpu.vector_store %arg3[%swap3A_221, %swap3A_222, %swap3A_223, %swap3A_224], %swap3A_227 {strides = array<i32>} : memref<1x64x32x128xf32, #tpu.memory_space<vmem>>, vector<1x64x1x128xf32>,
    %slice3A_228 = vector.extract_strided_slice %reshape3A {offsets = [0, 23, 0], sizes = [128, 1, 64], strides = [1, 1, 1]} : vector<128x32x64xf32> to vector<128x1x64xf32>
    %squeeze3A_229 = vector.shape_cast %slice3A_228 : vector<128x1x64xf32> to vector<128x64xf32>
    %transpose3A_230 = tpu.transpose %squeeze3A_229, [1, 0] : vector<128x64xf32> -> vector<64x128xf32>
    %swap3A_231 = arith.constant 0 : index
    %swap3A_232 = arith.constant 0 : index
    %swap3A_233 = arith.constant 23 : index
    %swap3A_234 = arith.constant 0 : index
    %swap3A_235 = vector.load %arg3[%swap3A_231, %swap3A_232, %swap3A_233, %swap3A_234] : memref<1x64x32x128xf32, #tpu.memory_space<vmem>>, vector<1x64x1x128xf32>
    %swap3A_236 = vector.shape_cast %swap3A_235 : vector<1x64x1x128xf32> to vector<64x128xf32>
    %swap3A_237 = vector.shape_cast %transpose3A_230 : vector<64x128xf32> to vector<1x64x1x128xf32>
    tpu.vector_store %arg3[%swap3A_231, %swap3A_232, %swap3A_233, %swap3A_234], %swap3A_237 {strides = array<i32>} : memref<1x64x32x128xf32, #tpu.memory_space<vmem>>, vector<1x64x1x128xf32>,
    %slice3A_238 = vector.extract_strided_slice %reshape3A {offsets = [0, 24, 0], sizes = [128, 1, 64], strides = [1, 1, 1]} : vector<128x32x64xf32> to vector<128x1x64xf32>
    %squeeze3A_239 = vector.shape_cast %slice3A_238 : vector<128x1x64xf32> to vector<128x64xf32>
    %transpose3A_240 = tpu.transpose %squeeze3A_239, [1, 0] : vector<128x64xf32> -> vector<64x128xf32>
    %swap3A_241 = arith.constant 0 : index
    %swap3A_242 = arith.constant 0 : index
    %swap3A_243 = arith.constant 24 : index
    %swap3A_244 = arith.constant 0 : index
    %swap3A_245 = vector.load %arg3[%swap3A_241, %swap3A_242, %swap3A_243, %swap3A_244] : memref<1x64x32x128xf32, #tpu.memory_space<vmem>>, vector<1x64x1x128xf32>
    %swap3A_246 = vector.shape_cast %swap3A_245 : vector<1x64x1x128xf32> to vector<64x128xf32>
    %swap3A_247 = vector.shape_cast %transpose3A_240 : vector<64x128xf32> to vector<1x64x1x128xf32>
    tpu.vector_store %arg3[%swap3A_241, %swap3A_242, %swap3A_243, %swap3A_244], %swap3A_247 {strides = array<i32>} : memref<1x64x32x128xf32, #tpu.memory_space<vmem>>, vector<1x64x1x128xf32>,
    %slice3A_248 = vector.extract_strided_slice %reshape3A {offsets = [0, 25, 0], sizes = [128, 1, 64], strides = [1, 1, 1]} : vector<128x32x64xf32> to vector<128x1x64xf32>
    %squeeze3A_249 = vector.shape_cast %slice3A_248 : vector<128x1x64xf32> to vector<128x64xf32>
    %transpose3A_250 = tpu.transpose %squeeze3A_249, [1, 0] : vector<128x64xf32> -> vector<64x128xf32>
    %swap3A_251 = arith.constant 0 : index
    %swap3A_252 = arith.constant 0 : index
    %swap3A_253 = arith.constant 25 : index
    %swap3A_254 = arith.constant 0 : index
    %swap3A_255 = vector.load %arg3[%swap3A_251, %swap3A_252, %swap3A_253, %swap3A_254] : memref<1x64x32x128xf32, #tpu.memory_space<vmem>>, vector<1x64x1x128xf32>
    %swap3A_256 = vector.shape_cast %swap3A_255 : vector<1x64x1x128xf32> to vector<64x128xf32>
    %swap3A_257 = vector.shape_cast %transpose3A_250 : vector<64x128xf32> to vector<1x64x1x128xf32>
    tpu.vector_store %arg3[%swap3A_251, %swap3A_252, %swap3A_253, %swap3A_254], %swap3A_257 {strides = array<i32>} : memref<1x64x32x128xf32, #tpu.memory_space<vmem>>, vector<1x64x1x128xf32>,
    %slice3A_258 = vector.extract_strided_slice %reshape3A {offsets = [0, 26, 0], sizes = [128, 1, 64], strides = [1, 1, 1]} : vector<128x32x64xf32> to vector<128x1x64xf32>
    %squeeze3A_259 = vector.shape_cast %slice3A_258 : vector<128x1x64xf32> to vector<128x64xf32>
    %transpose3A_260 = tpu.transpose %squeeze3A_259, [1, 0] : vector<128x64xf32> -> vector<64x128xf32>
    %swap3A_261 = arith.constant 0 : index
    %swap3A_262 = arith.constant 0 : index
    %swap3A_263 = arith.constant 26 : index
    %swap3A_264 = arith.constant 0 : index
    %swap3A_265 = vector.load %arg3[%swap3A_261, %swap3A_262, %swap3A_263, %swap3A_264] : memref<1x64x32x128xf32, #tpu.memory_space<vmem>>, vector<1x64x1x128xf32>
    %swap3A_266 = vector.shape_cast %swap3A_265 : vector<1x64x1x128xf32> to vector<64x128xf32>
    %swap3A_267 = vector.shape_cast %transpose3A_260 : vector<64x128xf32> to vector<1x64x1x128xf32>
    tpu.vector_store %arg3[%swap3A_261, %swap3A_262, %swap3A_263, %swap3A_264], %swap3A_267 {strides = array<i32>} : memref<1x64x32x128xf32, #tpu.memory_space<vmem>>, vector<1x64x1x128xf32>,
    %slice3A_268 = vector.extract_strided_slice %reshape3A {offsets = [0, 27, 0], sizes = [128, 1, 64], strides = [1, 1, 1]} : vector<128x32x64xf32> to vector<128x1x64xf32>
    %squeeze3A_269 = vector.shape_cast %slice3A_268 : vector<128x1x64xf32> to vector<128x64xf32>
    %transpose3A_270 = tpu.transpose %squeeze3A_269, [1, 0] : vector<128x64xf32> -> vector<64x128xf32>
    %swap3A_271 = arith.constant 0 : index
    %swap3A_272 = arith.constant 0 : index
    %swap3A_273 = arith.constant 27 : index
    %swap3A_274 = arith.constant 0 : index
    %swap3A_275 = vector.load %arg3[%swap3A_271, %swap3A_272, %swap3A_273, %swap3A_274] : memref<1x64x32x128xf32, #tpu.memory_space<vmem>>, vector<1x64x1x128xf32>
    %swap3A_276 = vector.shape_cast %swap3A_275 : vector<1x64x1x128xf32> to vector<64x128xf32>
    %swap3A_277 = vector.shape_cast %transpose3A_270 : vector<64x128xf32> to vector<1x64x1x128xf32>
    tpu.vector_store %arg3[%swap3A_271, %swap3A_272, %swap3A_273, %swap3A_274], %swap3A_277 {strides = array<i32>} : memref<1x64x32x128xf32, #tpu.memory_space<vmem>>, vector<1x64x1x128xf32>,
    %slice3A_278 = vector.extract_strided_slice %reshape3A {offsets = [0, 28, 0], sizes = [128, 1, 64], strides = [1, 1, 1]} : vector<128x32x64xf32> to vector<128x1x64xf32>
    %squeeze3A_279 = vector.shape_cast %slice3A_278 : vector<128x1x64xf32> to vector<128x64xf32>
    %transpose3A_280 = tpu.transpose %squeeze3A_279, [1, 0] : vector<128x64xf32> -> vector<64x128xf32>
    %swap3A_281 = arith.constant 0 : index
    %swap3A_282 = arith.constant 0 : index
    %swap3A_283 = arith.constant 28 : index
    %swap3A_284 = arith.constant 0 : index
    %swap3A_285 = vector.load %arg3[%swap3A_281, %swap3A_282, %swap3A_283, %swap3A_284] : memref<1x64x32x128xf32, #tpu.memory_space<vmem>>, vector<1x64x1x128xf32>
    %swap3A_286 = vector.shape_cast %swap3A_285 : vector<1x64x1x128xf32> to vector<64x128xf32>
    %swap3A_287 = vector.shape_cast %transpose3A_280 : vector<64x128xf32> to vector<1x64x1x128xf32>
    tpu.vector_store %arg3[%swap3A_281, %swap3A_282, %swap3A_283, %swap3A_284], %swap3A_287 {strides = array<i32>} : memref<1x64x32x128xf32, #tpu.memory_space<vmem>>, vector<1x64x1x128xf32>,
    %slice3A_288 = vector.extract_strided_slice %reshape3A {offsets = [0, 29, 0], sizes = [128, 1, 64], strides = [1, 1, 1]} : vector<128x32x64xf32> to vector<128x1x64xf32>
    %squeeze3A_289 = vector.shape_cast %slice3A_288 : vector<128x1x64xf32> to vector<128x64xf32>
    %transpose3A_290 = tpu.transpose %squeeze3A_289, [1, 0] : vector<128x64xf32> -> vector<64x128xf32>
    %swap3A_291 = arith.constant 0 : index
    %swap3A_292 = arith.constant 0 : index
    %swap3A_293 = arith.constant 29 : index
    %swap3A_294 = arith.constant 0 : index
    %swap3A_295 = vector.load %arg3[%swap3A_291, %swap3A_292, %swap3A_293, %swap3A_294] : memref<1x64x32x128xf32, #tpu.memory_space<vmem>>, vector<1x64x1x128xf32>
    %swap3A_296 = vector.shape_cast %swap3A_295 : vector<1x64x1x128xf32> to vector<64x128xf32>
    %swap3A_297 = vector.shape_cast %transpose3A_290 : vector<64x128xf32> to vector<1x64x1x128xf32>
    tpu.vector_store %arg3[%swap3A_291, %swap3A_292, %swap3A_293, %swap3A_294], %swap3A_297 {strides = array<i32>} : memref<1x64x32x128xf32, #tpu.memory_space<vmem>>, vector<1x64x1x128xf32>,
    %slice3A_298 = vector.extract_strided_slice %reshape3A {offsets = [0, 30, 0], sizes = [128, 1, 64], strides = [1, 1, 1]} : vector<128x32x64xf32> to vector<128x1x64xf32>
    %squeeze3A_299 = vector.shape_cast %slice3A_298 : vector<128x1x64xf32> to vector<128x64xf32>
    %transpose3A_300 = tpu.transpose %squeeze3A_299, [1, 0] : vector<128x64xf32> -> vector<64x128xf32>
    %swap3A_301 = arith.constant 0 : index
    %swap3A_302 = arith.constant 0 : index
    %swap3A_303 = arith.constant 30 : index
    %swap3A_304 = arith.constant 0 : index
    %swap3A_305 = vector.load %arg3[%swap3A_301, %swap3A_302, %swap3A_303, %swap3A_304] : memref<1x64x32x128xf32, #tpu.memory_space<vmem>>, vector<1x64x1x128xf32>
    %swap3A_306 = vector.shape_cast %swap3A_305 : vector<1x64x1x128xf32> to vector<64x128xf32>
    %swap3A_307 = vector.shape_cast %transpose3A_300 : vector<64x128xf32> to vector<1x64x1x128xf32>
    tpu.vector_store %arg3[%swap3A_301, %swap3A_302, %swap3A_303, %swap3A_304], %swap3A_307 {strides = array<i32>} : memref<1x64x32x128xf32, #tpu.memory_space<vmem>>, vector<1x64x1x128xf32>,
    %slice3A_308 = vector.extract_strided_slice %reshape3A {offsets = [0, 31, 0], sizes = [128, 1, 64], strides = [1, 1, 1]} : vector<128x32x64xf32> to vector<128x1x64xf32>
    %squeeze3A_309 = vector.shape_cast %slice3A_308 : vector<128x1x64xf32> to vector<128x64xf32>
    %transpose3A_310 = tpu.transpose %squeeze3A_309, [1, 0] : vector<128x64xf32> -> vector<64x128xf32>
    %swap3A_311 = arith.constant 0 : index
    %swap3A_312 = arith.constant 0 : index
    %swap3A_313 = arith.constant 31 : index
    %swap3A_314 = arith.constant 0 : index
    %swap3A_315 = vector.load %arg3[%swap3A_311, %swap3A_312, %swap3A_313, %swap3A_314] : memref<1x64x32x128xf32, #tpu.memory_space<vmem>>, vector<1x64x1x128xf32>
    %swap3A_316 = vector.shape_cast %swap3A_315 : vector<1x64x1x128xf32> to vector<64x128xf32>
    %swap3A_317 = vector.shape_cast %transpose3A_310 : vector<64x128xf32> to vector<1x64x1x128xf32>
    tpu.vector_store %arg3[%swap3A_311, %swap3A_312, %swap3A_313, %swap3A_314], %swap3A_317 {strides = array<i32>} : memref<1x64x32x128xf32, #tpu.memory_space<vmem>>, vector<1x64x1x128xf32>,
    return
  }
  func.func @transform_0(%arg0: i32, %arg1: i32) -> (i32, i32) {
    %mul3A = arith.constant 8 : i32
    %mul3A_0 = arith.muli %arg0, %mul3A : i32
    %add3A = arith.addi %mul3A_0, %arg1 : i32
    %c0_i32 = arith.constant 0 : i32
    %c0_i32_1 = arith.constant 0 : i32
    return %add3A, %c0_i32 : i32, i32
  }
  func.func @transform_1(%arg0: i32, %arg1: i32) -> (i32, i32, i32, i32) {
    %c0_i32 = arith.constant 0 : i32
    %c0_i32_0 = arith.constant 0 : i32
    %c0_i32_1 = arith.constant 0 : i32
    return %arg0, %c0_i32, %c0_i32_0, %arg1 : i32, i32, i32, i32
  }
}

</mosaic_0001>

<sc_bundles>
// kernel: kernel.5.cloned.1.call-start
scs
__scs_entry_jumppad:
0x0: {  	(pc) =	sbr.rel $0x88, $3  }
0x1: {  	(tag) =	ssettag $0x0;
	lr =	simm.s32 $0x1  }
0x2: {  	[smem:$0x3F9E] =	sst lr;
	_ =	strace $0xD0000000  }
0x3: {  	_ = 	snop  }
0x4: {  	_ = 	snop  }
0x5: {  	_ = 	snop  }
0x6: {  	_ = 	snop  }
0x7: {  	_ = 	snop  }
__scs_overlays_trampoline_lowered:
0x8: {  	[smem:$0x3FAD] =	sst s0  }
0x9: {  	[smem:$0x3FAE] =	sst s1  }
0xa: {  	[smem:$0x3FAF] =	sst s2  }
0xb: {  	[smem:$0x3FB0] =	sst s3  }
0xc: {  	[smem:$0x3FB1] =	sst s4  }
0xd: {  	[smem:$0x3FB2] =	sst s5  }
0xe: {  	[smem:$0x3FB3] =	sst s6  }
0xf: {  	[smem:$0x3FB4] =	sst s7  }
0x10: {  	[smem:$0x3FB5] =	sst s8  }
0x11: {  	[smem:$0x3FB6] =	sst s9;
	s0 =	simm.s32 @!p0 $0x0  }
0x12: {  	s1 =	sld [smem:$0x3F9C];
	s0 =	simm.s32 @p0 $0x1  }
0x13: {  	[smem:$0x3FB7] =	sst s0;
	s0 =	simm.s32 @!p1 $0x0  }
0x14: {  	s2 =	sld [smem:$0x3F9B];
	s0 =	simm.s32 @p1 $0x1  }
0x15: {  	[smem:$0x3FB8] =	sst s0;
	s0 =	simm.s32 @!p2 $0x0  }
0x16: {  	s3 =	sld [smem:$0x3FDB];
	s0 =	simm.s32 @p2 $0x1  }
0x17: {  	s4 =	simm.s32 $0x1BF5;
	[smem:$0x3FBA] =	sst s0  }
0x18: {  	s0 =	sld [smem:$0x3F9D];
	_ =	swait.ge [sflag:s4], $0x0  }
0x19: {  	s7 =	sld [smem:$0x3F9E]  }
0x1a: {  	s8 =	sadd.s32 $0xFFFFE003, lr  }
0x1b: {  	s9 =	sadd.s32 $0xFFFFFEF7, lr;
	s5 =	simm.s32 $0xFFFFFFFF;
	p2 =	slt.u32 s8, $0xFFFFF086  }
0x1c: {  	p1 =	slt.u32 s9, $0xF7A;
	s5 =	simm.s32 @!p2 $0x0  }
0x1d: {  	s5 =	simm.s32 @p1 $0x1;
	p0 =	seq.s32 s7, s2  }
0x1e: {  	s7 =	smul.u32 @!p0 $0xF7A, s2;
	p2 =	seq.s32 @!p0 s5, $0x0  }
0x1f: {  	s9 =	smul.u32 $0xF7A, s1;
	s8 =	simm.s32 @!p0 $0x1BF5;
	p2 =	por !p2, p0  }
0x20: {  	[sflag:s8] =	ssyncset.s32 @!p0 $0xFFFFF086;
	s6 =	sadd.s32 @!p0 s3, s7;
	s7 =	simm.s32 @!p0 $0x108  }
0x21: {  	s3 =	sadd.s32 s3, s9;
	s6 =	sadd.s32 @!p0 $0x88, s6;
	s7 =	simm.s32 @p2 $0x1082  }
0x22: {  	[simem:s7], [sflag:s8] =	dma.local @!p0 [hbm:s6], $0xF7A  }
0x23: {  	s9 =	sor.u32 $0xD0000000, s2;
	s6 =	simm.s32 $0x108;
	_ =	swait.ge @!p0 [sflag:s8], $0x0  }
0x24: {  	s3 =	sadd.s32 $0x88, s3;
	s6 =	simm.s32 @!p1 $0x1082;
	[sflag:s4] =	ssyncset.s32 $0xFFFFF086  }
0x25: {  	[simem:s6], [sflag:s4] =	dma.local [hbm:s3], $0xF7A  }
0x26: {  	[smem:$0x3F9E] =	sst s1;
	(tag) =	ssettag s2;
	_ =	strace s9  }
0x27: {  	s1 =	sld [smem:$0x3FAE]  }
0x28: {  	s2 =	sld [smem:$0x3FAF]  }
0x29: {  	s4 =	sld [smem:$0x3FB1]  }
0x2a: {  	p0 =	seq.s32 s5, $0x0;
	s5 =	sld [smem:$0x3FB2]  }
0x2b: {  	s6 =	sld [smem:$0x3FB3]  }
0x2c: {  	s7 =	sld [smem:$0x3FB4]  }
0x2d: {  	s3 =	simm.s32 $0x108;
	s8 =	sld [smem:$0x3FB5]  }
0x2e: {  	s3 =	simm.s32 @!p0 $0x1082;
	s9 =	sld [smem:$0x3FB6]  }
0x2f: {  	lr =	sadd.s32 s0, s3;
	s0 =	sld [smem:$0x3FAD]  }
0x30: {  	s3 =	sld [smem:$0x3FB0]  }
0x31: {  	[smem:$0x3FB9] =	sst s10  }
0x32: {  	s10 =	sld [smem:$0x3FB7];
	_ =	sdelay $0x3  }
0x33: {  	p0 =	seq.s32 s10, $0x1;
	s10 =	sld [smem:$0x3FB9];
	_ =	sdelay $0x3  }
0x34: {  	[smem:$0x3FB9] =	sst s10  }
0x35: {  	s10 =	sld [smem:$0x3FB8];
	_ =	sdelay $0x3  }
0x36: {  	p1 =	seq.s32 s10, $0x1;
	s10 =	sld [smem:$0x3FB9];
	_ =	sdelay $0x3  }
0x37: {  	[smem:$0x3FB9] =	sst s10  }
0x38: {  	s10 =	sld [smem:$0x3FBA]  }
0x39: {  	_ = 	snop;
	(pc) =	sbr.ind lr, $3  }
0x3a: {  	_ = 	snop  }
0x3b: {  	_ = 	snop  }
0x3c: {  	p2 =	seq.s32 s10, $0x1;
	s10 =	sld [smem:$0x3FB9]  }
0x3d: {  	_ =	shalt  }
0x3e: {  	_ =	shalt  }
0x3f: {  	_ =	shalt  }
0x40: {  	_ =	shalt  }
0x41: {  	_ =	shalt  }
0x42: {  	_ =	shalt  }
0x43: {  	_ =	shalt  }
0x44: {  	_ =	shalt  }
0x45: {  	_ =	shalt  }
0x46: {  	_ =	shalt  }
0x47: {  	_ =	shalt  }
0x48: {  	_ =	shalt  }
0x49: {  	_ =	shalt  }
0x4a: {  	_ =	shalt  }
0x4b: {  	_ =	shalt  }
0x4c: {  	_ =	shalt  }
0x4d: {  	_ =	shalt  }
0x4e: {  	_ =	shalt  }
0x4f: {  	_ =	shalt  }
0x50: {  	_ =	shalt  }
0x51: {  	_ =	shalt  }
0x52: {  	_ =	shalt  }
0x53: {  	_ =	shalt  }
0x54: {  	_ =	shalt  }
0x55: {  	_ =	shalt  }
0x56: {  	_ =	shalt  }
0x57: {  	_ =	shalt  }
0x58: {  	_ =	shalt  }
0x59: {  	_ =	shalt  }
0x5a: {  	_ =	shalt  }
0x5b: {  	_ =	shalt  }
0x5c: {  	_ =	shalt  }
0x5d: {  	_ =	shalt  }
0x5e: {  	_ =	shalt  }
0x5f: {  	_ =	shalt  }
0x60: {  	_ =	shalt  }
0x61: {  	_ =	shalt  }
0x62: {  	_ =	shalt  }
0x63: {  	_ =	shalt  }
0x64: {  	_ =	shalt  }
0x65: {  	_ =	shalt  }
0x66: {  	_ =	shalt  }
0x67: {  	_ =	shalt  }
0x68: {  	_ =	shalt  }
0x69: {  	_ =	shalt  }
0x6a: {  	_ =	shalt  }
0x6b: {  	_ =	shalt  }
0x6c: {  	_ =	shalt  }
0x6d: {  	_ =	shalt  }
0x6e: {  	_ =	shalt  }
0x6f: {  	_ =	shalt  }
0x70: {  	_ =	shalt  }
0x71: {  	_ =	shalt  }
0x72: {  	_ =	shalt  }
0x73: {  	_ =	shalt  }
0x74: {  	_ =	shalt  }
0x75: {  	_ =	shalt  }
0x76: {  	_ =	shalt  }
0x77: {  	_ =	shalt  }
0x78: {  	_ =	shalt  }
0x79: {  	_ =	shalt  }
0x7a: {  	_ =	shalt  }
0x7b: {  	_ =	shalt  }
0x7c: {  	_ =	shalt  }
0x7d: {  	_ =	shalt  }
0x7e: {  	_ =	shalt  }
0x7f: {  	_ =	shalt  }
0x80: {  	_ =	shalt  }
0x81: {  	_ =	shalt  }
0x82: {  	_ =	shalt  }
0x83: {  	_ =	shalt  }
0x84: {  	_ =	shalt  }
0x85: {  	_ =	shalt  }
0x86: {  	_ =	shalt  }
0x87: {  	_ =	shalt  }
.Lfunc_end0:
.L_simem_size_0:
called_computation_lowered:
.L_overlay_start_0:
0x88: {  	s2 =	sld [smem:$0x3FD9]  }
0x89: {  	s3 =	sld [smem:$0x3FFE];
	_ =	sdelay $0x1  }
0x8a: {  	s1 =	srdreg.scid  }
0x8b: {  	s0 =	sand.u32 $0x1, s1  }
0x8c: {  	s14 =	sshll.u32 s0, $0xA;
	s2 =	sadd.s32 s3, s2  }
0x8d: {  	s2 =	sadd.s32 s2, s14  }
0x8e: {  	[smem:$0x3FC5] =	sst s2  }
0x8f: {  	_ = 	snop  }
0x90: {  	s2 =	sld [smem:$0x3FD0];
	_ =	sdelay $0x2  }
0x91: {  	s15 =	simm.s32 $0xA;
	s4 =	simm.s32 $0x10  }
0x92: {  	[smem:s4], [sflag:s15] =	dma.local [hbm:s2], $0x1  }
0x93: {  	_ =	swait.eq [sflag:s15], $0x1  }
0x94: {  	[sflag:s15] =	ssyncset.done $0x0  }
0x95: {  	s16 =	sld [smem:$0x10];
	[sflag:s15] =	ssyncadd.s32 $0xFFFFFFFF  }
0x96: {  	s17 =	sld [smem:$0x11];
	(tm) =	ssettm $0x1  }
0x97: {  	s18 =	sld [smem:$0x3FFB];
	_ =	sdelay $0x3  }
0x98: {  	_ =	strace s18  }
0x99: {  	s4 =	sld [smem:$0x3FFC];
	_ =	sdelay $0x3  }
0x9a: {  	_ =	strace s4  }
0x9b: {  	s4 =	sld [smem:$0x3FFD];
	_ =	sdelay $0x3  }
0x9c: {  	_ =	strace s4  }
0x9d: {  	_ =	strace $0x8FFFFFFF  }
0x9e: {  	s19 =	sld [smem:$0x3FDB];
	_ =	sdelay $0x1  }
0x9f: {  	s5 =	simm.s32 $_scs_section_size  }
0xa0: {  	s6 =	simm.s32 $_size__tile_overlayer_lowered;
	s7 =	simm.s32 $_tile_overlayer_lowered  }
0xa1: {  	s22 =	simm.s32 $0x1BFF;
	s21 =	sshll.u32 s7, $0x1;
	s4 =	sadd.s32 s5, s19  }
0xa2: {  	s8 =	simm.s32 $0x0;
	s20 =	sshll.u32 s6, $0x1;
	s6 =	sadd.s32 s21, s4  }
0xa3: {  	[timem:s8], [sflag:s22] =	dma.local [hbm:s6], s20  }
0xa4: {  	_ =	swait.ge [sflag:s22], s20  }
0xa5: {  	s5 =	ssub.s32 $0x0, s20;
	[sflag:s22] =	ssyncset.done $0x0  }
0xa6: {  	[sflag:s22] =	ssyncadd.s32 s5;
	_ =	sdelay $0x1  }
0xa7: {  	s23 =	simm.s32 $0x1B8B  }
0xa8: {  	_ =	swait.ge [sflag:s23], $0x1  }
0xa9: {  	[sflag:s23] =	ssyncset.done $0x0  }
0xaa: {  	s25 =	simm.s32 $0x1B8E;
	s24 =	sld [smem:$0x3FFE];
	[sflag:s23] =	ssyncadd.s32 $0xFFFFFFFF  }
0xab: {  	s26 =	simm.s32 $execute0_lowered;
	[smem:$0x3FD2] =	sst s25  }
0xac: {  	s6 =	sshll.u32 s26, $0x1;
	_ =	strace $0x80000046;
	[dreg:$0x1] =	wrdreg $0xFFFFFFFF  }
0xad: {  	s28 =	simm.s32 $_size_execute0_lowered;
	s4 =	sadd.s32 s4, s6;
	[dreg:$0x0] =	wrdreg $0x0  }
0xae: {  	s6 =	sshll.u32 s28, $0x1;
	[dreg:$0x2] =	wrdreg s4  }
0xaf: {  	[dreg:$0x3] =	wrdreg s6  }
0xb0: {  	[dreg:$0x4] =	wrdreg $0xC0  }
0xb1: {  	_ =	task [dreg:s8], $0x5FFFF  }
0xb2: {  	[dreg:$0x1] =	wrdreg $0xFFFFFFFF  }
0xb3: {  	[dreg:$0x0] =	wrdreg $0x60  }
0xb4: {  	[dreg:$0x2] =	wrdreg s24  }
0xb5: {  	[dreg:$0x3] =	wrdreg s16  }
0xb6: {  	[dreg:$0x4] =	wrdreg s17  }
0xb7: {  	[dreg:$0x5] =	wrdreg $0x9  }
0xb8: {  	_ =	task.clear_ibuf [dreg:s8], $0x6FFFF;
	_ =	strace $0x90000046  }
0xb9: {  	s29 =	simm.s32 $0x9;
	_ =	strace $0x80000048  }
0xba: {  	_ =	swait.ge [sflag:s29], $0x1  }
0xbb: {  	[sflag:s29] =	ssyncadd.s32 $0xFFFFFFFF  }
0xbc: {  	_ =	strace $0x90000048  }
0xbd: {  	_ =	sfence  }
0xbe: {  	s30 =	sld [smem:$0x0];
	_ =	sdelay $0x2  }
0xbf: {  	s31 =	sshll.u32 s1, $0xD;
	s1 =	sshrl.u32 s1, $0x2  }
0xc0: {  	s3 =	sand.u32 $0x4000, s31;
	s1 =	sadd.s32 s1, s30  }
0xc1: {  	s0 =	sor.u32 s3, s0;
	s1 =	sshll.u32 s1, $0x11  }
0xc2: {  	s0 =	sor.u32 s1, s0  }
0xc3: {  	s0 =	sadd.s32 $0x8F2B, s0  }
0xc4: {  	[sflag:s0] =	ssyncadd.remote.s32 $0x1  }
0xc5: {  	_ =	sfence.sel $0xFFFF  }
0xc6: {  	[dreg:$0x0] =	wrdreg $0xFFFFFFFF;
	(pc) =	sbr.abs _section_cstart, $3  }
0xc7: {  	[dreg:$0x1] =	wrdreg $0xFFFFFFFF  }
0xc8: {  	_ =	task.clear_ibuf [dreg:s8], $0x2FFFF;
	_ =	strace $0x9FFFFFFF  }
0xc9: {  	(tm) =	ssettm $0x7FFFFFFF  }
tec
execute0_lowered:
.L_overlay_start_1:
0x0: {  	(tag) =	ssettag $0x1  }
0x1: {  	s0 =	rddreg [dreg:$0x0]  }
0x2: {  	s1 =	rddreg [dreg:$0x1]  }
0x3: {  	s6 =	stileid.u32;
	s2 =	rddreg [dreg:$0x2]  }
0x4: {  	s3 =	srdreg.scid;
	s17 =	simm.s32 $0x3;
	s18 =	simm.s32 $0x4000  }
0x5: {  	s19 =	simm.s32 $0x8000;
	s20 =	simm.s32 $0xC000;
	s21 =	simm.s32 $0xC080  }
0x6: {  	s22 =	simm.s32 $0xC100;
	s4 =	sshll.u32 s6, $0x1;
	s5 =	sand.u32 $0x1, s3  }
0x7: {  	s3 =	simm.s32 $0x0;
	s6 =	sshrl.u32 s6, $0x2;
	s4 =	sand.u32 $0x6, s4  }
0x8: {  	[smem:$0x7FF] =	sst s3;
	s8 =	sshll.u32 s6, $0xA;
	s9 =	sshll.u32 s6, $0xB  }
0x9: {  	s16 =	sshll.u32 s6, $0xE;
	s6 =	smul.u32 $0x18000, s6;
	s7 =	sor.u32 s5, s4  }
0xa: {  	_ =	strace $0x80000047;
	s9 =	sadd.s32 s9, s0;
	s5 =	ssub.s32 $0x2, s5  }
0xb: {  	s4 =	sshll.u32 s7, $0x7;
	s15 =	sshrl.u32 s5, $0x1;
	s11 =	sadd.s32 $0x5200, s9  }
0xc: {  	s23 =	sadd.s32 $0x3200, s9;
	s9 =	sadd.s32 $0x1200, s9;
	s7 =	sshll.u32 s7, $0xC  }
0xd: {  	s8 =	sor.u32 s8, s4;
	[dreg:$0x4] =	wrdreg s11;
	s6 =	sor.u32 s6, s7  }
0xe: {  	[dreg:$0x5] =	wrdreg s23;
	s4 =	sshrl.u32 s8, $0x3;
	s6 =	sshrl.u32 s6, $0x3  }
0xf: {  	[dreg:$0x6] =	wrdreg s9;
	s10 =	sadd.s32 s4, s0;
	s1 =	sadd.s32 s1, s6  }
0x10: {  	s23 =	simm.s32 $0x18180;
	s24 =	sadd.s32 $0x1000, s10;
	[dreg:$0xb] =	wrdreg s1  }
0x11: {  	s28 =	sshll.u32 s8, $0x8;
	s25 =	sadd.s32 $0x87400, s10;
	[dreg:$0x7] =	wrdreg s24  }
0x12: {  	s30 =	sadd.s32 s28, s2;
	s26 =	sadd.s32 $0x87200, s10;
	[dreg:$0x8] =	wrdreg s25  }
0x13: {  	s4 =	sadd.s32 $0x7200, s0;
	s31 =	sadd.s32 $0x7E00, s30;
	[dreg:$0x9] =	wrdreg s26  }
.Ltmp0:
0x14: {  	s6 =	sadd.s32 $0x1000, s1;
	[dreg:$0xa] =	wrdreg s31;
	(pc) =	sbr.rel .LBB2_1-.Ltmp0, $4  }
0x15: {  	s0 =	ssub.s32 s5, s15;
	s1 =	sadd.s32 $0x2000, s1;
	[dreg:$0xc] =	wrdreg s6  }
0x16: {  	s29 =	sshll.u32 s8, $0xB;
	s0 =	smax.u32 s0, $0x1;
	[dreg:$0xd] =	wrdreg s1  }
0x17: {  	v0 =	vlaneseq.u32;
	s11 =	sadd.s32 $0xFFFFF000, s29;
	[dreg:$0xe] =	wrdreg s0;
	s24 =	simm.s32 $0x2  }
0x18: {  	v2 =	vimm.s32 $0x0;
	v3 =	vor.u32 $0x10, v0;
	v1 =	vmov s16;
	s25 =	simm.s32 $0x40;
	s26 =	simm.s32 $0x1;
	s1 =	simm.s32 $0x0  }
.LBB2_13:
0x19: {  	_ =	swait.ge [sflag:s26], $0x1000  }
0x1a: {  	[sflag:s26] =	ssyncset.done $0x0  }
0x1b: {  	s1 =	simm.s32 $0x1D200;
	s0 =	rddreg [dreg:$0xa];
	[sflag:s26] =	ssyncadd.s32 $0xFFFFF000  }
0x1c: {  	[hbm4b:s0+s3] =	stream.linear.scatter [tilespmem:s1], [sflag:$0x2], $0x1000, $0x38;
	[tilespmem:$0x1E200] =	vst v63  }
0x1d: {  	_ =	swait.ge [sflag:s24], $0x1000  }
0x1e: {  	[sflag:s24] =	ssyncset.done $0x0  }
0x1f: {  	[sflag:s24] =	ssyncadd.s32 $0xFFFFF000  }
0x20: {  	_ =	swait.ge [sflag:s24], $0x1000  }
0x21: {  	[sflag:s24] =	ssyncset.done $0x0  }
0x22: {  	s14 =	simm.s32 $0x19200;
	s13 =	rddreg [dreg:$0xb];
	[sflag:s24] =	ssyncadd.s32 $0xFFFFF000  }
0x23: {  	[hbm4b:s13+s3] =	stream.linear.scatter [tilespmem:s14], [sflag:$0x3], $0x1000, $0x38;
	[tilespmem:$0x1E200] =	vst v63  }
0x24: {  	_ =	swait.ge [sflag:s17], $0x1000  }
0x25: {  	[sflag:s17] =	ssyncset.done $0x0  }
0x26: {  	s16 =	simm.s32 $0x1A200;
	s15 =	rddreg [dreg:$0xc];
	[sflag:s17] =	ssyncadd.s32 $0xFFFFF000  }
0x27: {  	[hbm4b:s15+s3] =	stream.linear.scatter [tilespmem:s16], [sflag:$0x3], $0x1000, $0x38;
	[tilespmem:$0x1E200] =	vst v63  }
0x28: {  	_ =	swait.ge [sflag:s17], $0x1000  }
0x29: {  	[sflag:s17] =	ssyncset.done $0x0  }
0x2a: {  	s29 =	simm.s32 $0x1B200;
	s28 =	rddreg [dreg:$0xd];
	[sflag:s17] =	ssyncadd.s32 $0xFFFFF000  }
0x2b: {  	[hbm4b:s28+s3] =	stream.linear.scatter [tilespmem:s29], [sflag:$0x3], $0x1000, $0x38;
	[tilespmem:$0x1E200] =	vst v63  }
0x2c: {  	_ =	swait.ge [sflag:s17], $0x1000  }
0x2d: {  	s30 =	rddreg [dreg:$0xf]  }
0x2e: {  	s31 =	rddreg [dreg:$0xe];
	s1 =	sadd.s32 $0x1, s30  }
0x2f: {  	p0 =	sne.s32 s1, s31  }
.Ltmp1:
0x30: {  	_ = 	snop;
	(pc) =	sbr.rel @!p0 .LBB2_14-.Ltmp1, $3  }
0x31: {  	_ =	sdelay $0x1  }
0x32: {  	[sflag:s17] =	ssyncset.done $0x0  }
0x33: {  	[sflag:s17] =	ssyncadd.s32 $0xFFFFF000  }
.LBB2_1:
0x34: {  	s0 =	rddreg [dreg:$0x4]  }
0x35: {  	[tilespmem:s3], [sflag:$0x3] =	stream.linear.gather [hbm4b:s0+s3], $0x4000, $0x38;
	[tilespmem:$0x1E200] =	vst v63  }
0x36: {  	_ =	swait.ge [sflag:s17], $0x4000  }
0x37: {  	[sflag:s17] =	ssyncset.done $0x0  }
0x38: {  	s16 =	rddreg [dreg:$0x5];
	[sflag:s17] =	ssyncadd.s32 $0xFFFFC000  }
0x39: {  	[tilespmem:s18], [sflag:$0x3] =	stream.linear.gather [hbm4b:s16+s3], $0x4000, $0x38;
	[tilespmem:$0x1E200] =	vst v63  }
0x3a: {  	_ =	swait.ge [sflag:s17], $0x4000  }
0x3b: {  	[sflag:s17] =	ssyncset.done $0x0  }
0x3c: {  	s28 =	rddreg [dreg:$0x6];
	[sflag:s17] =	ssyncadd.s32 $0xFFFFC000  }
0x3d: {  	[tilespmem:s19], [sflag:$0x3] =	stream.linear.gather [hbm4b:s28+s3], $0x4000, $0x38;
	[tilespmem:$0x1E200] =	vst v63  }
0x3e: {  	_ =	swait.ge [sflag:s17], $0x4000  }
0x3f: {  	[sflag:s17] =	ssyncset.done $0x0  }
0x40: {  	s29 =	rddreg [dreg:$0x7];
	[sflag:s17] =	ssyncadd.s32 $0xFFFFC000  }
0x41: {  	[tilespmem:s20], [sflag:$0x3] =	stream.linear.gather [hbm4b:s29+s3], $0x80, $0x38;
	[tilespmem:$0x1E200] =	vst v63  }
0x42: {  	_ =	swait.ge [sflag:s17], $0x80  }
0x43: {  	[sflag:s17] =	ssyncset.done $0x0  }
0x44: {  	s30 =	rddreg [dreg:$0x8];
	[sflag:s17] =	ssyncadd.s32 $0xFFFFFF80  }
0x45: {  	[tilespmem:s21], [sflag:$0x3] =	stream.linear.gather [hbm4b:s30+s3], $0x80, $0x38;
	[tilespmem:$0x1E200] =	vst v63  }
0x46: {  	_ =	swait.ge [sflag:s17], $0x80  }
0x47: {  	[sflag:s17] =	ssyncset.done $0x0  }
0x48: {  	s31 =	rddreg [dreg:$0x9];
	[sflag:s17] =	ssyncadd.s32 $0xFFFFFF80  }
0x49: {  	[tilespmem:s22], [sflag:$0x3] =	stream.linear.gather [hbm4b:s31+s3], $0x80, $0x38;
	[tilespmem:$0x1E200] =	vst v63  }
0x4a: {  	_ =	swait.ge [sflag:s17], $0x80  }
0x4b: {  	[sflag:s17] =	ssyncset.done $0x0  }
0x4c: {  	s0 =	simm.s32 $0x0;
	[sflag:s17] =	ssyncadd.s32 $0xFFFFFF80  }
0x4d: {  	v4 =	vld [tilespmem:s0+$0x0]  }
0x4e: {  	v6 =	vld [tilespmem:s0+$0x4000];
	_ =	sdelay $0x1  }
0x4f: {  	v7 =	vld [tilespmem:s0+$0x8000];
	_ =	sdelay $0x1  }
0x50: {  	s5 =	simm.s32 $0x10;
	v5 =	vshrl.u32 v4, $0x10  }
0x51: {  	v9 =	vmul.f32 v4, v4;
	v10 =	vmul.f32 v6, v6;
	v11 =	vand.u32 $0x1, v5;
	v5 =	vld [tilespmem:s5+$0x0]  }
0x52: {  	v8 =	vshrl.u32 v6, $0x10;
	v11 =	vadd.s32 v11, v4;
	v4 =	vld [tilespmem:s5+$0x4000]  }
0x53: {  	v7 =	vmul.f32 v7, v7;
	v8 =	vand.u32 $0x1, v8;
	v10 =	vadd.f32 v10, v9  }
0x54: {  	v8 =	vadd.s32 v8, v6;
	v6 =	vld [tilespmem:s5+$0x8000];
	v9 =	vadd.s32 $0x7FFF, v11  }
0x55: {  	s6 =	simm.s32 $0x80;
	v8 =	vadd.s32 $0x7FFF, v8;
	v9 =	vand.u32 $0xFFFF0000, v9;
	v7 =	vadd.f32 v7, v10  }
.LBB2_2:
0x56: {  	s7 =	sshra.s32 s6, $0x2;
	v10 =	vshrl.u32 v5, $0x10;
	[tilespmem:s0+$0xC180] =	vst v9;
	v14 =	vand.u32 $0xFFFF0000, v8;
	v9 =	vmov v5;
	p0 =	sne.s32 s6, $0xFFC0  }
.Ltmp2:
0x57: {  	s6 =	sadd.s32 $0x40, s6;
	v11 =	vshrl.u32 v4, $0x10;
	v12 =	vmul.f32 v5, v9;
	v5 =	vld [tilespmem:s7+$0x0];
	v13 =	vmul.f32 v4, v4;
	[tilespmem:s0+$0x14180] =	vst v7;
	(pc) =	sbr.rel @p0 .LBB2_2-.Ltmp2, $4  }
0x58: {  	v7 =	vand.u32 $0x1, v10;
	v8 =	vmov v4;
	v10 =	vand.u32 $0x1, v11;
	[tilespmem:s0+$0x10180] =	vst v14;
	v4 =	vld [tilespmem:s7+$0x4000];
	s0 =	smov.u32 s5;
	s5 =	smov.u32 s7  }
0x59: {  	v7 =	vadd.s32 v7, v9;
	v11 =	vadd.f32 v13, v12;
	v12 =	vmul.f32 v6, v6  }
0x5a: {  	v7 =	vadd.s32 $0x7FFF, v7;
	v8 =	vadd.s32 v10, v8;
	v6 =	vld [tilespmem:s5+$0x8000]  }
0x5b: {  	v9 =	vand.u32 $0xFFFF0000, v7;
	v8 =	vadd.s32 $0x7FFF, v8;
	v7 =	vadd.f32 v12, v11  }
0x5c: {  	_ = 	snop  }
0x5d: {  	v10 =	vshrl.u32 v5, $0x10;
	v11 =	vmul.f32 v5, v5;
	v12 =	vmul.f32 v4, v4  }
0x5e: {  	v8 =	vand.u32 $0xFFFF0000, v8;
	v13 =	vshrl.u32 v4, $0x10;
	v10 =	vand.u32 $0x1, v10  }
0x5f: {  	[tilespmem:s0+$0xC180] =	vst v9;
	v5 =	vadd.s32 v10, v5;
	v63 =	vand.u32 $0x1, v13;
	v62 =	vadd.f32 v12, v11  }
.Ltmp3:
0x60: {  	[tilespmem:s0+$0x14180] =	vst v7;
	v6 =	vmul.f32 v6, v6;
	v5 =	vadd.s32 $0x7FFF, v5;
	v4 =	vadd.s32 v63, v4;
	(pc) =	sbr.rel .LBB2_4-.Ltmp3, $4  }
0x61: {  	[tilespmem:s0+$0x10180] =	vst v8;
	v5 =	vand.u32 $0xFFFF0000, v5;
	v4 =	vadd.s32 $0x7FFF, v4  }
0x62: {  	v6 =	vadd.f32 v6, v62;
	[tilespmem:s5+$0xC180] =	vst v5;
	v4 =	vand.u32 $0xFFFF0000, v4  }
0x63: {  	[tilespmem:s5+$0x10180] =	vst v4  }
0x64: {  	[dreg:$0xf] =	wrdreg s1;
	s0 =	simm.s32 $0x0;
	[tilespmem:s5+$0x14180] =	vst v6  }
.LBB2_9:
0x65: {  	_ =	swait.ge [sflag:s24], $0x1000;
	s6 =	sshll.u32 s0, $0xC  }
0x66: {  	[sflag:s24] =	ssyncset.done $0x0;
	s5 =	sand.u32 $0x1000, s6  }
0x67: {  	[sflag:s24] =	ssyncadd.s32 $0xFFFFF000;
	s1 =	sor.u32 $0x1C200, s5  }
0x68: {  	[tilespmem:s1], [sflag:$0x1] =	stream.indirect.gather [hbm4b:s4+s25], $0x40, s29, s25, $0xb8;
	[tilespmem:$0x1E200] =	vst v63  }
.LBB2_11:
0x69: {  	_ =	swait.ge [sflag:s26], $0x1000;
	s1 =	sadd.s32 s6, s11  }
0x6a: {  	s5 =	sxor.u32 $0x1000, s5;
	[sflag:s26] =	ssyncset.done $0x0;
	s1 =	sshrl.u32 s1, $0x3  }
0x6b: {  	s5 =	sadd.s32 $0x1C200, s5;
	[sflag:s26] =	ssyncadd.s32 $0xFFFFF000;
	s1 =	sadd.s32 s2, s1  }
0x6c: {  	[hbm4b:s1+s3] =	stream.linear.scatter [tilespmem:s5], [sflag:$0x2], $0x1000, $0x38;
	[tilespmem:$0x1E200] =	vst v63  }
.LBB2_12:
0x6d: {  	s0 =	sadd.s32 $0x1, s0  }
0x6e: {  	p0 =	sne.s32 s0, $0x40  }
.Ltmp4:
0x6f: {  	_ = 	snop;
	(pc) =	sbr.rel @!p0 .LBB2_13-.Ltmp4, $1  }
0x70: {  	_ =	sdelay $0x3  }
.LBB2_4:
0x71: {  	s29 =	sshll.u32 s0, $0x1  }
0x72: {  	v4 =	vmov s29  }
0x73: {  	v4 =	vbroadcast v4, $0x0;
	_ =	sdelay $0x5  }
0x74: {  	v6 =	vld.idx.msk [tilespmem:v4+s20+$0x0], $0xffff  }
0x75: {  	v5 =	vld.idx.msk [tilespmem:v4+s21+$0x0], $0xffff  }
0x76: {  	v4 =	vld.idx.msk [tilespmem:v4+s22+$0x0], $0xffff;
	_ =	sdelay $0x3  }
0x77: {  	v7 =	vshrl.u32 v6, $0x10;
	v8 =	vshrl.u32 v5, $0x10  }
0x78: {  	v9 =	vshrl.u32 v4, $0x10;
	v10 =	vmul.f32 v6, v6;
	v11 =	vmul.f32 v5, v5  }
0x79: {  	v7 =	vand.u32 $0x1, v7;
	v8 =	vand.u32 $0x1, v8;
	v9 =	vand.u32 $0x1, v9  }
0x7a: {  	v7 =	vadd.s32 v7, v6;
	v8 =	vadd.s32 v8, v5;
	v9 =	vadd.s32 v9, v4  }
0x7b: {  	s28 =	simm.s32 $0x141A0;
	v10 =	vadd.f32 v11, v10;
	v11 =	vmul.f32 v4, v4;
	v7 =	vadd.s32 $0x7FFF, v7  }
0x7c: {  	s30 =	simm.s32 $0xC1A0;
	s5 =	simm.s32 $0x101A0;
	s6 =	simm.s32 $0x8020;
	v8 =	vadd.s32 $0x7FFF, v8;
	v9 =	vadd.s32 $0x7FFF, v9;
	v7 =	vand.u32 $0xFFFF0000, v7  }
0x7d: {  	s7 =	simm.s32 $0x0;
	s8 =	simm.s32 $0x0;
	s9 =	simm.s32 $0x0;
	v8 =	vand.u32 $0xFFFF0000, v8;
	v9 =	vand.u32 $0xFFFF0000, v9;
	v10 =	vadd.f32 v11, v10  }
.LBB2_5:
0x7e: {  	v11 =	vld [tilespmem:s6+$0xFFFFFFE0]  }
0x7f: {  	v12 =	vld [tilespmem:s5+$0xFFFFFFE0]  }
0x80: {  	v46 =	vld [tilespmem:s6+$0xFFFFFFF0]  }
0x81: {  	v15 =	vld [tilespmem:s5+$0xFFFFFFF0]  }
0x82: {  	v16 =	vld [tilespmem:s6+$0x0]  }
0x83: {  	v17 =	vld [tilespmem:s6+$0x10]  }
0x84: {  	v50 =	vld [tilespmem:s5+$0x0];
	v13 =	vshrl.u32 v11, $0x10  }
0x85: {  	v20 =	vld [tilespmem:s5+$0x10];
	v13 =	vand.u32 $0x1, v13  }
0x86: {  	v11 =	vadd.s32 v13, v11  }
0x87: {  	v14 =	vld [tilespmem:s30+$0xFFFFFFE0];
	v12 =	vmul.f32 v8, v12;
	v47 =	vshrl.u32 v46, $0x10;
	v11 =	vadd.s32 $0x7FFF, v11  }
0x88: {  	v18 =	vld [tilespmem:s30+$0xFFFFFFF0];
	v49 =	vmul.f32 v8, v15;
	v19 =	vshrl.u32 v16, $0x10;
	v11 =	vand.u32 $0xFFFF0000, v11  }
0x89: {  	v48 =	vld [tilespmem:s28+$0xFFFFFFE0];
	v21 =	vshrl.u32 v17, $0x10;
	v15 =	vmul.f32 v8, v50;
	v11 =	vmul.f32 v11, v9  }
0x8a: {  	v58 =	vld [tilespmem:s28+$0x10];
	v55 =	vmul.f32 v8, v20;
	v19 =	vand.u32 $0x1, v19;
	v21 =	vand.u32 $0x1, v21  }
0x8b: {  	v51 =	vld [tilespmem:s28+$0xFFFFFFF0];
	v16 =	vadd.s32 v19, v16;
	v11 =	vadd.f32 v11, v12;
	v12 =	vand.u32 $0x1, v47  }
0x8c: {  	v52 =	vld [tilespmem:s30+$0x0];
	v17 =	vadd.s32 v21, v17;
	v16 =	vadd.s32 $0x7FFF, v16;
	v12 =	vadd.s32 v12, v46  }
0x8d: {  	v56 =	vld [tilespmem:s28+$0x0];
	v17 =	vadd.s32 $0x7FFF, v17;
	v53 =	vand.u32 $0xFFFF0000, v16;
	v12 =	vadd.s32 $0x7FFF, v12  }
0x8e: {  	v54 =	vld [tilespmem:s30+$0x10];
	v17 =	vand.u32 $0xFFFF0000, v17;
	v13 =	vmul.f32 v53, v9;
	v12 =	vand.u32 $0xFFFF0000, v12  }
0x8f: {  	v60 =	vadd.f32 v58, v10;
	v17 =	vmul.f32 v17, v9;
	v12 =	vmul.f32 v12, v9  }
0x90: {  	v14 =	vmul.f32 v7, v14;
	v19 =	vadd.f32 v51, v10;
	v13 =	vadd.f32 v13, v15  }
0x91: {  	v18 =	vmul.f32 v7, v18;
	v17 =	vadd.f32 v17, v55;
	v12 =	vadd.f32 v12, v49  }
0x92: {  	v57 =	vmul.f32 v7, v52;
	v15 =	vadd.f32 v56, v10;
	v11 =	vadd.f32 v11, v14  }
0x93: {  	v16 =	vmul.f32 v7, v54;
	v14 =	vadd.f32 v48, v10;
	v12 =	vadd.f32 v12, v18  }
0x94: {  	v13 =	vadd.f32 v13, v57;
	v11 =	vadd.f32 v11, v11  }
0x95: {  	v59 =	vadd.f32 v17, v16;
	v12 =	vadd.f32 v12, v12  }
0x96: {  	v13 =	vadd.f32 v13, v13;
	v11 =	vsub.f32 v14, v11  }
0x97: {  	v14 =	vadd.f32 v59, v59;
	v12 =	vsub.f32 v19, v12  }
0x98: {  	vm3 =	vle.f32 v11, $3.999999910e-02;
	v11 =	vsub.f32 v15, v13  }
0x99: {  	v62 =	vsub.f32 v60, v14;
	v61 =	vsel vm3, $0x1, v2;
	vm1 =	vle.f32 v12, $3.999999910e-02  }
0x9a: {  	(xrf0) =	vadd.scan.msk.s32 $0xffff, v61;
	vm2 =	vle.f32 v11, $3.999999910e-02;
	v63 =	vsel vm1, $0x1, v2  }
0x9b: {  	vm0 =	vle.f32 v62, $3.999999910e-02;
	v11 =	vsel vm2, $0x1, v2;
	(xrf0) =	vadd.scan.msk.s32 $0xffff, v63  }
0x9c: {  	(xrf0) =	vadd.scan.msk.s32 $0xffff, v11;
	v11 =	vsel vm0, $0x1, v2  }
0x9d: {  	(xrf0) =	vadd.scan.msk.s32 $0xffff, v11;
	_ =	sdelay $0x2  }
0x9e: {  	v11, _, _ =	vpop (xrf0)  }
0x9f: {  	(v2sf) =	vpush v11, $0xF;
	v12, _, _ =	vpop (xrf0)  }
0xa0: {  	v11, _, _ =	vpop (xrf0);
	(v2sf) =	vpush v12, $0xF  }
0xa1: {  	(v2sf) =	vpush v11, $0xF;
	v11, _, _ =	vpop (xrf0)  }
0xa2: {  	(v2sf) =	vpush v11, $0xF;
	_ =	sdelay $0xb  }
0xa3: {  	s10 =	spop (v2sf)  }
0xa4: {  	s10 =	sadd.s32 s8, s10;
	s31 =	spop (v2sf)  }
0xa5: {  	s12 =	spop (v2sf);
	s31 =	sadd.s32 s10, s31  }
0xa6: {  	v11 =	vor.u32 s7, v0;
	s15 =	spop (v2sf);
	s12 =	sadd.s32 s31, s12  }
0xa7: {  	p0 =	sgt.u32 s9, $0xFE;
	[tilespmem:s8+$0x18180] =	vst.msk vm3, v11;
	s8 =	sadd.s32 s12, s15  }
0xa8: {  	p1 =	slt.s32 @!p0 s8, $0x20  }
0xa9: {  	p0 =	por p0, !p1  }
.Ltmp5:
0xaa: {  	s14 =	sadd.s32 $0x10, s7;
	(pc) =	sbr.rel @!p0 .LBB2_5-.Ltmp5, $4  }
0xab: {  	s16 =	sadd.s32 $0x20, s7;
	v11 =	vor.u32 s14, v0  }
0xac: {  	[tilespmem:s10+$0x18180] =	vst.msk vm1, v11;
	v11 =	vor.u32 s16, v0;
	s15 =	sadd.s32 $0x30, s7  }
0xad: {  	s9 =	sadd.s32 $0x1, s9;
	s28 =	sadd.s32 $0x40, s28;
	s30 =	sadd.s32 $0x40, s30;
	[tilespmem:s31+$0x18180] =	vst.msk vm2, v11;
	v11 =	vor.u32 s15, v0  }
0xae: {  	s5 =	sadd.s32 $0x40, s5;
	s6 =	sadd.s32 $0x40, s6;
	s7 =	sadd.s32 $0x40, s7;
	[tilespmem:s12+$0x18180] =	vst.msk vm0, v11  }
0xaf: {  	v7 =	vmov s8  }
0xb0: {  	vm0 =	vgt.s32 v7, v0  }
0xb1: {  	v8 =	vnsel vm0, $0x0, v0;
	_ =	sdelay $0x4  }
0xb2: {  	v8 =	vld.idx.msk [tilespmem:v8+s23+$0x0], $0xffff;
	_ =	sdelay $0x3  }
0xb3: {  	vm15 =	vgt.s32 v7, $0x0  }
0xb4: {  	v8 =	vnsel vm15, $0x3FFF, v8;
	_ =	sdelay $0x3  }
0xb5: {  	s30 =	simm.s32 $0x0  }
0xb6: {  	v9 =	vld.idx.msk [tilespmem:v8+s30+$0x0], $0xffff;
	_ =	sdelay $0x4  }
0xb7: {  	v9 =	vsub.f32 v9, v6  }
0xb8: {  	s28 =	sshll.u32 s0, $0x6  }
0xb9: {  	[tilespmem:s28+$0x19200] =	vst v9  }
0xba: {  	v9 =	vld.idx.msk [tilespmem:v8+s18+$0x0], $0xffff;
	_ =	sdelay $0x4  }
0xbb: {  	v9 =	vsub.f32 v9, v5;
	_ =	sdelay $0x1  }
0xbc: {  	[tilespmem:s28+$0x1A200] =	vst v9  }
0xbd: {  	v9 =	vld.idx.msk [tilespmem:v8+s19+$0x0], $0xffff;
	_ =	sdelay $0x1  }
0xbe: {  	vm1 =	vgt.s32 v7, v3  }
0xbf: {  	v7 =	vnsel vm1, $0x0, v3;
	_ =	sdelay $0x1  }
0xc0: {  	v8 =	vadd.s32 v1, v8;
	v9 =	vsub.f32 v9, v4  }
0xc1: {  	[tilespmem:s28+$0x18200] =	vst v8  }
0xc2: {  	[tilespmem:s28+$0x1B200] =	vst v9  }
0xc3: {  	v7 =	vld.idx.msk [tilespmem:v7+s23+$0x0], $0xffff;
	_ =	sdelay $0x4  }
0xc4: {  	v7 =	vnsel vm15, $0x3FFF, v7;
	_ =	sdelay $0x4  }
0xc5: {  	v8 =	vld.idx.msk [tilespmem:v7+s30+$0x0], $0xffff;
	_ =	sdelay $0x4  }
0xc6: {  	v6 =	vsub.f32 v8, v6;
	_ =	sdelay $0x1  }
0xc7: {  	[tilespmem:s28+$0x19210] =	vst v6  }
0xc8: {  	v6 =	vld.idx.msk [tilespmem:v7+s18+$0x0], $0xffff;
	_ =	sdelay $0x4  }
0xc9: {  	v5 =	vsub.f32 v6, v5;
	_ =	sdelay $0x1  }
0xca: {  	[tilespmem:s28+$0x1A210] =	vst v5  }
0xcb: {  	v5 =	vld.idx.msk [tilespmem:v7+s19+$0x0], $0xffff;
	_ =	sdelay $0x2  }
0xcc: {  	s31 =	sor.u32 $0x1, s29  }
0xcd: {  	v8 =	vmov s31  }
0xce: {  	v4 =	vsub.f32 v5, v4;
	_ =	sdelay $0x1  }
0xcf: {  	[tilespmem:s28+$0x1B210] =	vst v4;
	v4 =	vadd.s32 v1, v7  }
0xd0: {  	[tilespmem:s28+$0x18210] =	vst v4  }
0xd1: {  	v6 =	vld.idx.msk [tilespmem:v8+s20+$0x0], $0xffff  }
0xd2: {  	v5 =	vld.idx.msk [tilespmem:v8+s21+$0x0], $0xffff  }
0xd3: {  	v4 =	vld.idx.msk [tilespmem:v8+s22+$0x0], $0xffff;
	_ =	sdelay $0x3  }
0xd4: {  	v7 =	vshrl.u32 v6, $0x10;
	v8 =	vshrl.u32 v5, $0x10  }
0xd5: {  	v9 =	vshrl.u32 v4, $0x10;
	v10 =	vmul.f32 v6, v6;
	v11 =	vmul.f32 v5, v5  }
0xd6: {  	v7 =	vand.u32 $0x1, v7;
	v8 =	vand.u32 $0x1, v8;
	v9 =	vand.u32 $0x1, v9  }
0xd7: {  	v7 =	vadd.s32 v7, v6;
	v8 =	vadd.s32 v8, v5;
	v9 =	vadd.s32 v9, v4  }
0xd8: {  	s5 =	simm.s32 $0x141A0;
	v10 =	vadd.f32 v11, v10;
	v11 =	vmul.f32 v4, v4;
	v7 =	vadd.s32 $0x7FFF, v7  }
0xd9: {  	s6 =	simm.s32 $0xC1A0;
	s7 =	simm.s32 $0x101A0;
	s8 =	simm.s32 $0x8020;
	v8 =	vadd.s32 $0x7FFF, v8;
	v9 =	vadd.s32 $0x7FFF, v9;
	v7 =	vand.u32 $0xFFFF0000, v7  }
0xda: {  	s9 =	simm.s32 $0x0;
	s10 =	simm.s32 $0x0;
	s29 =	sadd.s32 $0x18200, s28;
	v8 =	vand.u32 $0xFFFF0000, v8;
	v9 =	vand.u32 $0xFFFF0000, v9;
	v10 =	vadd.f32 v11, v10  }
.LBB2_7:
0xdb: {  	v11 =	vld [tilespmem:s8+$0xFFFFFFE0]  }
0xdc: {  	v12 =	vld [tilespmem:s7+$0xFFFFFFE0]  }
0xdd: {  	v46 =	vld [tilespmem:s8+$0xFFFFFFF0]  }
0xde: {  	v15 =	vld [tilespmem:s7+$0xFFFFFFF0]  }
0xdf: {  	v16 =	vld [tilespmem:s8+$0x0]  }
0xe0: {  	v17 =	vld [tilespmem:s8+$0x10]  }
0xe1: {  	v50 =	vld [tilespmem:s7+$0x0];
	v13 =	vshrl.u32 v11, $0x10  }
0xe2: {  	v20 =	vld [tilespmem:s7+$0x10];
	v13 =	vand.u32 $0x1, v13  }
0xe3: {  	v11 =	vadd.s32 v13, v11  }
0xe4: {  	v14 =	vld [tilespmem:s6+$0xFFFFFFE0];
	v12 =	vmul.f32 v8, v12;
	v47 =	vshrl.u32 v46, $0x10;
	v11 =	vadd.s32 $0x7FFF, v11  }
0xe5: {  	v18 =	vld [tilespmem:s6+$0xFFFFFFF0];
	v49 =	vmul.f32 v8, v15;
	v19 =	vshrl.u32 v16, $0x10;
	v11 =	vand.u32 $0xFFFF0000, v11  }
0xe6: {  	v48 =	vld [tilespmem:s5+$0xFFFFFFE0];
	v21 =	vshrl.u32 v17, $0x10;
	v15 =	vmul.f32 v8, v50;
	v11 =	vmul.f32 v11, v9  }
0xe7: {  	v58 =	vld [tilespmem:s5+$0x10];
	v55 =	vmul.f32 v8, v20;
	v19 =	vand.u32 $0x1, v19;
	v21 =	vand.u32 $0x1, v21  }
0xe8: {  	v51 =	vld [tilespmem:s5+$0xFFFFFFF0];
	v16 =	vadd.s32 v19, v16;
	v11 =	vadd.f32 v11, v12;
	v12 =	vand.u32 $0x1, v47  }
0xe9: {  	v52 =	vld [tilespmem:s6+$0x0];
	v17 =	vadd.s32 v21, v17;
	v16 =	vadd.s32 $0x7FFF, v16;
	v12 =	vadd.s32 v12, v46  }
0xea: {  	v56 =	vld [tilespmem:s5+$0x0];
	v17 =	vadd.s32 $0x7FFF, v17;
	v53 =	vand.u32 $0xFFFF0000, v16;
	v12 =	vadd.s32 $0x7FFF, v12  }
0xeb: {  	v54 =	vld [tilespmem:s6+$0x10];
	v17 =	vand.u32 $0xFFFF0000, v17;
	v13 =	vmul.f32 v53, v9;
	v12 =	vand.u32 $0xFFFF0000, v12  }
0xec: {  	v60 =	vadd.f32 v58, v10;
	v17 =	vmul.f32 v17, v9;
	v12 =	vmul.f32 v12, v9  }
0xed: {  	v14 =	vmul.f32 v7, v14;
	v19 =	vadd.f32 v51, v10;
	v13 =	vadd.f32 v13, v15  }
0xee: {  	v18 =	vmul.f32 v7, v18;
	v17 =	vadd.f32 v17, v55;
	v12 =	vadd.f32 v12, v49  }
0xef: {  	v57 =	vmul.f32 v7, v52;
	v15 =	vadd.f32 v56, v10;
	v11 =	vadd.f32 v11, v14  }
0xf0: {  	v16 =	vmul.f32 v7, v54;
	v14 =	vadd.f32 v48, v10;
	v12 =	vadd.f32 v12, v18  }
0xf1: {  	v13 =	vadd.f32 v13, v57;
	v11 =	vadd.f32 v11, v11  }
0xf2: {  	v59 =	vadd.f32 v17, v16;
	v12 =	vadd.f32 v12, v12  }
0xf3: {  	v13 =	vadd.f32 v13, v13;
	v11 =	vsub.f32 v14, v11  }
0xf4: {  	v14 =	vadd.f32 v59, v59;
	v12 =	vsub.f32 v19, v12  }
0xf5: {  	vm3 =	vle.f32 v11, $3.999999910e-02;
	v11 =	vsub.f32 v15, v13  }
0xf6: {  	v62 =	vsub.f32 v60, v14;
	v61 =	vsel vm3, $0x1, v2;
	vm1 =	vle.f32 v12, $3.999999910e-02  }
0xf7: {  	(xrf0) =	vadd.scan.msk.s32 $0xffff, v61;
	vm2 =	vle.f32 v11, $3.999999910e-02;
	v63 =	vsel vm1, $0x1, v2  }
0xf8: {  	vm0 =	vle.f32 v62, $3.999999910e-02;
	v11 =	vsel vm2, $0x1, v2;
	(xrf0) =	vadd.scan.msk.s32 $0xffff, v63  }
0xf9: {  	(xrf0) =	vadd.scan.msk.s32 $0xffff, v11;
	v11 =	vsel vm0, $0x1, v2  }
0xfa: {  	(xrf0) =	vadd.scan.msk.s32 $0xffff, v11;
	_ =	sdelay $0x2  }
0xfb: {  	v11, _, _ =	vpop (xrf0)  }
0xfc: {  	(v2sf) =	vpush v11, $0xF;
	v12, _, _ =	vpop (xrf0)  }
0xfd: {  	v11, _, _ =	vpop (xrf0);
	(v2sf) =	vpush v12, $0xF  }
0xfe: {  	(v2sf) =	vpush v11, $0xF;
	v11, _, _ =	vpop (xrf0)  }
0xff: {  	(v2sf) =	vpush v11, $0xF;
	_ =	sdelay $0xb  }
0x100: {  	s12 =	spop (v2sf)  }
0x101: {  	s12 =	sadd.s32 s10, s12;
	s14 =	spop (v2sf)  }
0x102: {  	s15 =	spop (v2sf);
	s14 =	sadd.s32 s12, s14  }
0x103: {  	v11 =	vor.u32 s9, v0;
	s13 =	spop (v2sf);
	s15 =	sadd.s32 s14, s15  }
0x104: {  	p0 =	sgt.u32 s30, $0xFE;
	[tilespmem:s10+$0x18180] =	vst.msk vm3, v11;
	s10 =	sadd.s32 s15, s13  }
0x105: {  	p1 =	slt.s32 @!p0 s10, $0x20  }
0x106: {  	p0 =	por p0, !p1  }
.Ltmp6:
0x107: {  	s16 =	sadd.s32 $0x10, s9;
	(pc) =	sbr.rel @!p0 .LBB2_7-.Ltmp6, $4  }
0x108: {  	s1 =	sadd.s32 $0x20, s9;
	v11 =	vor.u32 s16, v0  }
0x109: {  	s16 =	sadd.s32 $0x30, s9;
	[tilespmem:s12+$0x18180] =	vst.msk vm1, v11;
	v11 =	vor.u32 s1, v0  }
0x10a: {  	s30 =	sadd.s32 $0x1, s30;
	s5 =	sadd.s32 $0x40, s5;
	s6 =	sadd.s32 $0x40, s6;
	[tilespmem:s14+$0x18180] =	vst.msk vm2, v11;
	v11 =	vor.u32 s16, v0  }
0x10b: {  	s7 =	sadd.s32 $0x40, s7;
	s8 =	sadd.s32 $0x40, s8;
	s9 =	sadd.s32 $0x40, s9;
	[tilespmem:s15+$0x18180] =	vst.msk vm0, v11  }
0x10c: {  	v7 =	vmov s10  }
0x10d: {  	vm0 =	vgt.s32 v7, v0  }
0x10e: {  	v8 =	vnsel vm0, $0x0, v0;
	_ =	sdelay $0x4  }
0x10f: {  	v8 =	vld.idx.msk [tilespmem:v8+s23+$0x0], $0xffff;
	_ =	sdelay $0x3  }
0x110: {  	vm15 =	vgt.s32 v7, $0x0  }
0x111: {  	v8 =	vnsel vm15, $0x3FFF, v8;
	_ =	sdelay $0x4  }
0x112: {  	v9 =	vld.idx.msk [tilespmem:v8+s3+$0x0], $0xffff;
	_ =	sdelay $0x4  }
0x113: {  	v9 =	vsub.f32 v9, v6  }
0x114: {  	s1 =	sshll.u32 s31, $0x5  }
0x115: {  	[tilespmem:s1+$0x19200] =	vst v9  }
0x116: {  	v9 =	vld.idx.msk [tilespmem:v8+s18+$0x0], $0xffff;
	_ =	sdelay $0x4  }
0x117: {  	v9 =	vsub.f32 v9, v5;
	_ =	sdelay $0x1  }
0x118: {  	[tilespmem:s1+$0x1A200] =	vst v9  }
0x119: {  	v9 =	vld.idx.msk [tilespmem:v8+s19+$0x0], $0xffff;
	_ =	sdelay $0x2  }
0x11a: {  	vm1 =	vgt.s32 v7, v3  }
0x11b: {  	v7 =	vnsel vm1, $0x0, v3  }
0x11c: {  	v9 =	vsub.f32 v9, v4;
	_ =	sdelay $0x1  }
0x11d: {  	v8 =	vadd.s32 v1, v8;
	[tilespmem:s1+$0x1B200] =	vst v9  }
0x11e: {  	[tilespmem:s28+$0x18220] =	vst v8  }
0x11f: {  	v7 =	vld.idx.msk [tilespmem:v7+s23+$0x0], $0xffff;
	_ =	sdelay $0x4  }
0x120: {  	v7 =	vnsel vm15, $0x3FFF, v7;
	_ =	sdelay $0x4  }
0x121: {  	v8 =	vld.idx.msk [tilespmem:v7+s3+$0x0], $0xffff;
	_ =	sdelay $0x4  }
0x122: {  	v63 =	vsub.f32 v8, v6;
	_ =	sdelay $0x1  }
0x123: {  	[tilespmem:s1+$0x19210] =	vst v63  }
0x124: {  	v6 =	vld.idx.msk [tilespmem:v7+s18+$0x0], $0xffff;
	_ =	sdelay $0x4  }
0x125: {  	v5 =	vsub.f32 v6, v5;
	_ =	sdelay $0x1  }
0x126: {  	[tilespmem:s1+$0x1A210] =	vst v5  }
0x127: {  	v5 =	vld.idx.msk [tilespmem:v7+s19+$0x0], $0xffff;
	_ =	sdelay $0x2  }
0x128: {  	p0 =	slt.u32 s0, $0x2  }
.Ltmp7:
0x129: {  	_ = 	snop;
	(pc) =	sbr.rel @!p0 .LBB2_9-.Ltmp7, $3  }
0x12a: {  	v4 =	vsub.f32 v5, v4;
	_ =	sdelay $0x1  }
0x12b: {  	[tilespmem:s1+$0x1B210] =	vst v4;
	v4 =	vadd.s32 v1, v7  }
0x12c: {  	s5 =	sshll.u32 s0, $0xC;
	[tilespmem:s28+$0x18230] =	vst v4  }
0x12d: {  	p0 =	seq.s32 s0, $0x0  }
.Ltmp8:
0x12e: {  	_ = 	snop;
	(pc) =	sbr.rel @!p0 .LBB2_11-.Ltmp8, $4  }
.Ltmp9:
0x12f: {  	_ = 	snop;
	(pc) =	sbr.rel @p0 .LBB2_12-.Ltmp9, $4  }
0x130: {  	_ = 	snop  }
0x131: {  	s1 =	sadd.s32 $0x1C200, s5;
	s6 =	smov.u32 s5  }
0x132: {  	[tilespmem:s1], [sflag:$0x1] =	stream.indirect.gather [hbm4b:s4+s25], $0x40, s29, s25, $0xb8;
	[tilespmem:$0x1E200] =	vst v63  }
0x133: {  	_ = 	snop  }
.LBB2_14:
0x134: {  	_ =	sfence.sel $0x180000  }
0x135: {  	[bflag:$0x0] =	sbarrier.arrive $0xFFFF  }
0x136: {  	_ =	strace $0x90000047  }
0x137: {  	s0 =	stileid.u32;
	[bflag:$0x2] =	sbarrier.arrive $0xFFFF  }
0x138: {  	p0 =	sne.s32 s0, $0x0;
	s0 =	rddreg [dreg:$0x3]  }
0x139: {  	s0 =	sadd.s32 @!p0 $0x100000, s0  }
0x13a: {  	[sflag:s0] =	ssyncadd.tile.s32 @!p0 $0x1;
	_ =	shalt  }
.Lfunc_end2:
_tile_overlayer_lowered:
.L_overlay_start_2:
0x13b: {  	(tag) =	ssettag $0x2  }
0x13c: {  	s0 =	rddreg [dreg:$0x0];
	s2 =	stileid.u32  }
0x13d: {  	s1 =	rddreg [dreg:$0x1];
	p0 =	sne.s32 s2, $0x0  }
0x13e: {  	s3 =	rddreg [dreg:$0x2];
	[bflag:$0x3] =	sbarrier.arrive $0xFFFF;
	s2 =	simm.s32 @!p0 $0x1C03  }
0x13f: {  	[timem:s3], [sflag:s2] =	dma.local @!p0 [hbm:s0], s1  }
0x140: {  	s0 =	simm.s32 @!p0 $0x3  }
0x141: {  	_ =	swait.ge @!p0 [sflag:s0], s1  }
0x142: {  	s1 =	ssub.s32 @!p0 $0x0, s1;
	[sflag:s0] =	ssyncset.done @!p0 $0x0  }
0x143: {  	[sflag:s0] =	ssyncadd.s32 @!p0 s1  }
0x144: {  	[bflag:$0x3] =	sbarrier.arrive $0xFFFF  }
0x145: {  	_ =	shalt  }

</sc_bundles>
